<compile_context>
chip_gen: v7x
topology: tpu7x:2x2x1
jax: 0.10.2.dev20260603
libtpu: 0.0.44.dev20260713+nightly
codegen_flags: <defaults>
</compile_context>

<pallas_src>
import functools
import math

import jax
import jax.numpy as jnp
from jax import lax
from jax.experimental import pallas as pl
from jax.experimental.pallas import tpu as pltpu
from jax.experimental.pallas import tpu_sc as plsc

N1, N2, S, C, FF, H = 30000, 4096, 32, 256, 512, 8
DH = C // H
ROWS = N2 * S
B = 128
BS = B * S
NB = N2 // B
CP = 128

_NC, _NS = 2, 16
_NW = _NC * _NS
_RPW = ROWS // _NW
_CH = 128
_NCHUNK = _RPW // _CH


def _sc_gather_impl(feats, coords_p, idx_flat):
    mesh = plsc.VectorSubcoreMesh(core_axis_name="c", subcore_axis_name="s")

    @functools.partial(
        pl.kernel, mesh=mesh,
        out_type=[jax.ShapeDtypeStruct((ROWS, C), jnp.float32),
                  jax.ShapeDtypeStruct((ROWS, CP), jnp.float32)],
        scratch_types=[pltpu.VMEM((_CH,), jnp.int32),
                       pltpu.VMEM((_CH, C), jnp.float32),
                       pltpu.VMEM((_CH, CP), jnp.float32),
                       pltpu.SemaphoreType.DMA],
    )
    def gather_k(feat_hbm, coord_hbm, idx_hbm, gf_out, gc_out,
                 idx_v, fbuf, cbuf, sem):
        wid = lax.axis_index("s") * _NC + lax.axis_index("c")
        base = wid * _RPW

        def body(ci, carry):
            off = base + ci * _CH
            pltpu.sync_copy(idx_hbm.at[pl.ds(off, _CH)], idx_v)
            pltpu.async_copy(feat_hbm.at[idx_v], fbuf, sem).wait()
            pltpu.async_copy(coord_hbm.at[idx_v], cbuf, sem).wait()
            pltpu.sync_copy(fbuf, gf_out.at[pl.ds(off, _CH)])
            pltpu.sync_copy(cbuf, gc_out.at[pl.ds(off, _CH)])
            return carry

        lax.fori_loop(0, _NCHUNK, body, 0)

    return gather_k(feats, coords_p, idx_flat)


_sc_gather = _sc_gather_impl

_f32 = jnp.float32


def _dot(a, b, dims):
    return lax.dot_general(a, b, (dims, ((), ())),
                           preferred_element_type=_f32)


def _head_map():
    r = lax.broadcasted_iota(jnp.int32, (C, H), 0)
    c = lax.broadcasted_iota(jnp.int32, (C, H), 1)
    return ((r // DH) == c).astype(_f32)


def _main_body(gf_ref, gc_ref, qc_ref, mask_ref, wkp_ref, wqp_ref,
               win_ref, bin_ref, bkp_ref, bqp_ref, wao_ref, bao_ref,
               w1_ref, b1_ref, w2_ref, b2_ref,
               x1_ref, ssum_ref, gram_ref):
    i = pl.program_id(0)

    gf = gf_ref[...]
    gc = gc_ref[...]
    qc = qc_ref[...]

    rel = (gc.reshape(B, S, CP) - qc[:, None, :]).reshape(BS, CP)
    kpe = jax.nn.relu(_dot(rel, wkp_ref[...], ((1,), (1,))) + bkp_ref[...])
    k_in = gf + kpe

    win = win_ref[...]
    bin_ = bin_ref[...]
    k = _dot(k_in, win[C:2 * C, :], ((1,), (1,))) + bin_[:, C:2 * C]
    v = _dot(k_in, win[2 * C:, :], ((1,), (1,))) + bin_[:, 2 * C:]

    q_feat = jax.nn.relu(_dot(qc, wqp_ref[...], ((1,), (1,))) + bqp_ref[...])
    q = _dot(q_feat, win[:C, :], ((1,), (1,))) + bin_[:, :C]

    hm = _head_map()
    p = (k.reshape(B, S, C) * q[:, None, :]).reshape(BS, C)
    logits = _dot(p, hm, ((1,), (0,))) * (1.0 / math.sqrt(DH))
    l3 = logits.reshape(B, S, H) - mask_ref[...][:, :, None] * 1e30
    mx = jnp.max(l3, axis=1, keepdims=True)
    e = jnp.exp(l3 - mx)
    attn = e / jnp.sum(e, axis=1, keepdims=True)

    a_full = _dot(attn.reshape(BS, H), hm, ((1,), (1,)))
    o = jnp.sum((a_full * v).reshape(B, S, C), axis=1)

    attn_out = _dot(o, wao_ref[...], ((1,), (1,))) + bao_ref[...]
    h1 = jax.nn.relu(_dot(attn_out, w1_ref[...], ((1,), (1,))) + b1_ref[...])
    act = _dot(h1, w2_ref[...], ((1,), (1,))) + b2_ref[...]
    x1 = attn_out + act

    x1_ref[...] = x1

    @pl.when(i == 0)
    def _init():
        ssum_ref[...] = jnp.zeros_like(ssum_ref)
        gram_ref[...] = jnp.zeros_like(gram_ref)

    ssum_ref[...] += jnp.sum(x1, axis=0, keepdims=True)
    gram_ref[...] += _dot(x1, x1, ((0,), (0,)))


def _stats_body(ssum_ref, gram_ref, wo_ref, bo_ref, g1_ref, be1_ref,
                g2_ref, be2_ref, at_ref, bfin_ref):
    n = _f32(N2)
    s = ssum_ref[...]
    g = gram_ref[...]
    m1 = s / n
    r = lax.broadcasted_iota(jnp.int32, (C, C), 0)
    c = lax.broadcasted_iota(jnp.int32, (C, C), 1)
    eye = (r == c).astype(_f32)
    diag_g = jnp.sum(g * eye, axis=0, keepdims=True)
    v1 = diag_g / n - m1 * m1
    a1 = g1_ref[...] / jnp.sqrt(v1 + 1e-5)
    c1 = be1_ref[...] - a1 * m1

    wo = wo_ref[...]
    wmod = wo * a1
    bmod = _dot(c1, wo, ((1,), (1,))) + bo_ref[...]
    meany = _dot(m1, wmod, ((1,), (1,))) + bmod
    u = _dot(s, wmod, ((1,), (1,)))
    rmat = _dot(g, wmod, ((1,), (1,)))
    wt = jnp.transpose(wmod)
    qv = jnp.sum(wt * rmat, axis=0, keepdims=True)
    ey2 = qv / n + 2.0 * bmod * u / n + bmod * bmod
    v2 = ey2 - meany * meany
    a2 = g2_ref[...] / jnp.sqrt(v2 + 1e-5)
    c2 = be2_ref[...] - a2 * meany

    at_ref[...] = wt * a2
    bfin_ref[...] = a2 * bmod + c2


def _final_body(x1_ref, at_ref, bfin_ref, out_ref):
    out_ref[...] = jax.nn.relu(
        _dot(x1_ref[...], at_ref[...], ((1,), (0,))) + bfin_ref[...])


def _row(x):
    return x.reshape(1, -1)


def kernel(voxel_features, voxel_coords, query_coords, key_indices, key_mask,
           W_qpos, b_qpos, W_kpos, b_kpos, W_in, b_in, W_ao, b_ao,
           W1, b1, W2, b2, g1, be1, W_o, b_o, g2, be2):
    vcp = jnp.pad(voxel_coords, ((0, 0), (0, CP - 3)))
    qcp = jnp.pad(query_coords, ((0, 0), (0, CP - 3)))
    wkp = jnp.pad(W_kpos, ((0, 0), (0, CP - 3)))
    wqp = jnp.pad(W_qpos, ((0, 0), (0, CP - 3)))
    idx_flat = key_indices.reshape(-1).astype(jnp.int32)
    maskf = key_mask.astype(_f32)

    gf, gc = _sc_gather(voxel_features, vcp, idx_flat)

    full = lambda shape: pl.BlockSpec(shape, lambda i: (0, 0))
    x1, ssum, gram = pl.pallas_call(
        _main_body,
        grid=(NB,),
        in_specs=[
            pl.BlockSpec((BS, C), lambda i: (i, 0)),
            pl.BlockSpec((BS, CP), lambda i: (i, 0)),
            pl.BlockSpec((B, CP), lambda i: (i, 0)),
            pl.BlockSpec((B, S), lambda i: (i, 0)),
            full((C, CP)), full((C, CP)),
            full((3 * C, C)), full((1, 3 * C)),
            full((1, C)), full((1, C)),
            full((C, C)), full((1, C)),
            full((FF, C)), full((1, FF)),
            full((C, FF)), full((1, C)),
        ],
        out_specs=[
            pl.BlockSpec((B, C), lambda i: (i, 0)),
            pl.BlockSpec((1, C), lambda i: (0, 0)),
            pl.BlockSpec((C, C), lambda i: (0, 0)),
        ],
        out_shape=[
            jax.ShapeDtypeStruct((N2, C), _f32),
            jax.ShapeDtypeStruct((1, C), _f32),
            jax.ShapeDtypeStruct((C, C), _f32),
        ],
    )(gf, gc, qcp, maskf, wkp, wqp,
      W_in, _row(b_in), _row(b_kpos), _row(b_qpos), W_ao, _row(b_ao),
      W1, _row(b1), W2, _row(b2))

    at, bfin = pl.pallas_call(
        _stats_body,
        out_shape=[jax.ShapeDtypeStruct((C, C), _f32),
                   jax.ShapeDtypeStruct((1, C), _f32)],
    )(ssum, gram, W_o, _row(b_o), _row(g1), _row(be1), _row(g2), _row(be2))

    out = pl.pallas_call(
        _final_body,
        grid=(NB,),
        in_specs=[
            pl.BlockSpec((B, C), lambda i: (i, 0)),
            full((C, C)),
            full((1, C)),
        ],
        out_specs=pl.BlockSpec((B, C), lambda i: (i, 0)),
        out_shape=jax.ShapeDtypeStruct((N2, C), _f32),
    )(x1, at, bfin)
    return out

# --- scband reference (transcript-rebuilt; emitter-appended) ---
"""Pipeline reference for scband-sparse-attention3d-2972117369403 (READ-ONLY COPY).

The authoritative reference and input builder live on the scoring server;
editing this copy changes nothing except your own understanding.
"""

import jax, jax.numpy as jnp
import numpy as np

N1, N2, S, C, FF, H = 30000, 4096, 32, 256, 512, 8
DH = C // H

def _bn(x, g, b):
    m = jnp.mean(x, axis=0)
    v = jnp.var(x, axis=0)
    return g * (x - m) / jnp.sqrt(v + 1e-5) + b

def setup_inputs(seed: int = 0) -> dict:
    key = jax.random.key(seed)
    ks = jax.random.split(key, 24)
    sc = 0.02
    inp = {}
    inp['voxel_features'] = jax.random.normal(ks[0], (N1, C), dtype=jnp.float32)
    inp['voxel_coords'] = jax.random.uniform(ks[1], (N1, 3), dtype=jnp.float32)
    inp['query_coords'] = jax.random.uniform(ks[2], (N2, 3), dtype=jnp.float32)
    inp['key_indices'] = jax.random.randint(ks[3], (N2, S), 0, N1)
    inp['key_mask'] = jnp.zeros((N2, S), dtype=bool)
    inp['W_qpos'] = jax.random.normal(ks[4], (C, 3), dtype=jnp.float32) * sc
    inp['b_qpos'] = jnp.zeros((C,), dtype=jnp.float32)
    inp['W_kpos'] = jax.random.normal(ks[5], (C, 3), dtype=jnp.float32) * sc
    inp['b_kpos'] = jnp.zeros((C,), dtype=jnp.float32)
    inp['W_in'] = jax.random.normal(ks[6], (3 * C, C), dtype=jnp.float32) * sc
    inp['b_in'] = jnp.zeros((3 * C,), dtype=jnp.float32)
    inp['W_ao'] = jax.random.normal(ks[7], (C, C), dtype=jnp.float32) * sc
    inp['b_ao'] = jnp.zeros((C,), dtype=jnp.float32)
    inp['W1'] = jax.random.normal(ks[8], (FF, C), dtype=jnp.float32) * sc
    inp['b1'] = jnp.zeros((FF,), dtype=jnp.float32)
    inp['W2'] = jax.random.normal(ks[9], (C, FF), dtype=jnp.float32) * sc
    inp['b2'] = jnp.zeros((C,), dtype=jnp.float32)
    inp['g1'] = jnp.ones((C,), dtype=jnp.float32)
    inp['be1'] = jnp.zeros((C,), dtype=jnp.float32)
    inp['W_o'] = jax.random.normal(ks[10], (C, C), dtype=jnp.float32) * sc
    inp['b_o'] = jnp.zeros((C,), dtype=jnp.float32)
    inp['g2'] = jnp.ones((C,), dtype=jnp.float32)
    inp['be2'] = jnp.zeros((C,), dtype=jnp.float32)
    return inp

def reference(voxel_features, voxel_coords, query_coords, key_indices, key_mask,
              W_qpos, b_qpos, W_kpos, b_kpos, W_in, b_in, W_ao, b_ao,
              W1, b1, W2, b2, g1, be1, W_o, b_o, g2, be2):
    # gather (grouping_operation): key features/coords per query voxel
    key_feats = jnp.take(voxel_features, key_indices, axis=0)   # [N2, S, C]
    key_c = jnp.take(voxel_coords, key_indices, axis=0)         # [N2, S, 3]
    # relative coords
    rel = key_c - query_coords[:, None, :]
    # k_pos_proj (Conv1d 3->C, kernel 1) + ReLU
    kpe = jax.nn.relu(jnp.einsum('nsj,cj->nsc', rel, W_kpos) + b_kpos)
    k_in = key_feats + kpe                                       # [N2, S, C]
    # q_pos_proj + ReLU
    q_feat = jax.nn.relu(query_coords @ W_qpos.T + b_qpos)       # [N2, C]
    # multihead attention: L=1 query per voxel, S keys, batch dim = N2
    Wq, Wk, Wv = W_in[:C], W_in[C:2 * C], W_in[2 * C:]
    bq, bk, bv = b_in[:C], b_in[C:2 * C], b_in[2 * C:]
    q = (q_feat @ Wq.T + bq).reshape(N2, H, DH)
    k = (jnp.einsum('nsc,dc->nsd', k_in, Wk) + bk).reshape(N2, S, H, DH)
    v = (jnp.einsum('nsc,dc->nsd', k_in, Wv) + bv).reshape(N2, S, H, DH)
    logits = jnp.einsum('nhd,nshd->nhs', q, k) / jnp.sqrt(jnp.float32(DH))
    logits = jnp.where(key_mask[:, None, :], -jnp.inf, logits)
    attn = jax.nn.softmax(logits, axis=-1)
    o = jnp.einsum('nhs,nshd->nhd', attn, v).reshape(N2, C)
    attn_out = o @ W_ao.T + b_ao
    # feed-forward + residual (dropout p=0 -> identity)
    act = jax.nn.relu(attn_out @ W1.T + b1) @ W2.T + b2
    new = attn_out + act
    new = _bn(new, g1, be1)
    # output_layer: Linear -> BatchNorm1d -> ReLU
    out = jax.nn.relu(_bn(new @ W_o.T + b_o, g2, be2))
    return out

if __name__ == "__main__":
    import jax
    _d = setup_inputs()
    print(jax.jit(kernel)(*tuple(_d.values())))

</pallas_src>

<mosaic_0001>
#map = affine_map<(d0, d1) -> (0, 0)>
#map1 = affine_map<(d0, d1) -> (0)>
module attributes {stable_mosaic.version = 14 : i64} {
  func.func @gather_k(%arg0: i32, %arg1: i32, %arg2: memref<30000x256xf32, #tpu.memory_space<hbm>>, %arg3: memref<30000x128xf32, #tpu.memory_space<hbm>>, %arg4: memref<131072xi32, #tpu.memory_space<hbm>>, %arg5: memref<131072x256xf32, #tpu.memory_space<hbm>>, %arg6: memref<131072x128xf32, #tpu.memory_space<hbm>>, %arg7: memref<128xi32, #tpu.memory_space<vmem>>, %arg8: memref<128x256xf32, #tpu.memory_space<vmem>>, %arg9: memref<128x128xf32, #tpu.memory_space<vmem>>, %arg10: memref<!tpu.dma_semaphore, #tpu.memory_space<semaphore_mem>>) attributes {dimension_semantics = [#tpu.dimension_semantics<core_parallel>, #tpu.dimension_semantics<subcore_parallel>], iteration_bounds = array<i64: 2, 16>, scalar_prefetch = 0 : i64, scratch_operands = 4 : i64, tpu.core_type = #tpu.core_type<sc_vector_subcore>, window_params = [{transform_indices = #map}, {transform_indices = #map}, {transform_indices = #map1}, {transform_indices = #map}, {transform_indices = #map}]} {
    %mul3A = arith.constant 2 : i32
    %mul3A_0 = arith.muli %arg1, %mul3A : i32
    %add3A = arith.addi %mul3A_0, %arg0 : i32
    %mul3A_1 = arith.constant 4096 : i32
    %mul3A_2 = arith.muli %add3A, %mul3A_1 : i32
    %scan3A = arith.constant 0 : i32
    %scan3A_3 = arith.constant 0 : i32
    %scan3A_4 = arith.constant 32 : i32
    %scan3A_5 = arith.addi %scan3A_3, %scan3A_4 : i32
    %scan3A_6 = arith.constant 1 : i32
    scf.for %scan3A_8 = %scan3A_3 to %scan3A_5 step %scan3A_6  : i32 {
      %mul3A_9 = arith.constant 128 : i32
      %mul3A_10 = arith.muli %scan3A_8, %mul3A_9 : i32
      %add3A_11 = arith.addi %mul3A_2, %mul3A_10 : i32
      "tpu.region"() ({
        %run_scoped3A = tpu.sem_alloc : memref<!tpu.dma_semaphore, #tpu.memory_space<semaphore_mem>>
        %dma_start3A_22 = tpu.memref_slice %arg4[%add3A_11] : memref<131072xi32, #tpu.memory_space<hbm>> -> memref<128xi32, #tpu.memory_space<hbm>>
        %dma_start3A_23 = tpu.memref_slice %arg4[%add3A_11] : memref<131072xi32, #tpu.memory_space<hbm>> -> memref<128xi32, #tpu.memory_space<hbm>>
        tpu.enqueue_dma source(%dma_start3A_23 : memref<128xi32, #tpu.memory_space<hbm>>) target(%arg7 : memref<128xi32, #tpu.memory_space<vmem>>) target_semaphore(%run_scoped3A : memref<!tpu.dma_semaphore, #tpu.memory_space<semaphore_mem>>)
        %dma_wait3A_24 = tpu.memref_slice %arg4[%add3A_11] : memref<131072xi32, #tpu.memory_space<hbm>> -> memref<128xi32, #tpu.memory_space<hbm>>
        %dma_wait3A_25 = tpu.memref_slice %arg4[%add3A_11] : memref<131072xi32, #tpu.memory_space<hbm>> -> memref<128xi32, #tpu.memory_space<hbm>>
        tpu.wait_dma2 semaphore(%run_scoped3A : memref<!tpu.dma_semaphore, #tpu.memory_space<semaphore_mem>>) src(%dma_wait3A_25 : memref<128xi32, #tpu.memory_space<hbm>>) dst(%arg7 : memref<128xi32, #tpu.memory_space<vmem>>)
        tpu.yield
      }) : () -> ()
      %dma_start3A = arith.constant 0 : i32
      %dma_start3A_12 = arith.constant 0 : i32
      %dma_start3A_13 = tpu.memref_slice %arg2[%dma_start3A, %dma_start3A_12] : memref<30000x256xf32, #tpu.memory_space<hbm>> -> memref<30000x256xf32, #tpu.memory_space<hbm>>
      tpu.enqueue_indirect_dma source(%dma_start3A_13 : memref<30000x256xf32, #tpu.memory_space<hbm>>) target(%arg8 : memref<128x256xf32, #tpu.memory_space<vmem>>) offsets(%arg7 : memref<128xi32, #tpu.memory_space<vmem>>) semaphore(%arg10 : memref<!tpu.dma_semaphore, #tpu.memory_space<semaphore_mem>>)
      %dma_wait3A = arith.constant 0 : i32
      %dma_wait3A_14 = arith.constant 0 : i32
      %dma_wait3A_15 = tpu.memref_slice %arg2[%dma_wait3A, %dma_wait3A_14] : memref<30000x256xf32, #tpu.memory_space<hbm>> -> memref<30000x256xf32, #tpu.memory_space<hbm>>
      tpu.wait_indirect_dma semaphore(%arg10 : memref<!tpu.dma_semaphore, #tpu.memory_space<semaphore_mem>>) src(%dma_wait3A_15 : memref<30000x256xf32, #tpu.memory_space<hbm>>) dst(%arg8 : memref<128x256xf32, #tpu.memory_space<vmem>>)
      %dma_start3A_16 = arith.constant 0 : i32
      %dma_start3A_17 = arith.constant 0 : i32
      %dma_start3A_18 = tpu.memref_slice %arg3[%dma_start3A_16, %dma_start3A_17] : memref<30000x128xf32, #tpu.memory_space<hbm>> -> memref<30000x128xf32, #tpu.memory_space<hbm>>
      tpu.enqueue_indirect_dma source(%dma_start3A_18 : memref<30000x128xf32, #tpu.memory_space<hbm>>) target(%arg9 : memref<128x128xf32, #tpu.memory_space<vmem>>) offsets(%arg7 : memref<128xi32, #tpu.memory_space<vmem>>) semaphore(%arg10 : memref<!tpu.dma_semaphore, #tpu.memory_space<semaphore_mem>>)
      %dma_wait3A_19 = arith.constant 0 : i32
      %dma_wait3A_20 = arith.constant 0 : i32
      %dma_wait3A_21 = tpu.memref_slice %arg3[%dma_wait3A_19, %dma_wait3A_20] : memref<30000x128xf32, #tpu.memory_space<hbm>> -> memref<30000x128xf32, #tpu.memory_space<hbm>>
      tpu.wait_indirect_dma semaphore(%arg10 : memref<!tpu.dma_semaphore, #tpu.memory_space<semaphore_mem>>) src(%dma_wait3A_21 : memref<30000x128xf32, #tpu.memory_space<hbm>>) dst(%arg9 : memref<128x128xf32, #tpu.memory_space<vmem>>)
      "tpu.region"() ({
        %run_scoped3A = tpu.sem_alloc : memref<!tpu.dma_semaphore, #tpu.memory_space<semaphore_mem>>
        %dma_start3A_22 = arith.constant 0 : i32
        %dma_start3A_23 = tpu.memref_slice %arg5[%add3A_11, %dma_start3A_22] : memref<131072x256xf32, #tpu.memory_space<hbm>> -> memref<128x256xf32, #tpu.memory_space<hbm>>
        %dma_start3A_24 = arith.constant 0 : i32
        %dma_start3A_25 = tpu.memref_slice %arg5[%add3A_11, %dma_start3A_24] : memref<131072x256xf32, #tpu.memory_space<hbm>> -> memref<128x256xf32, #tpu.memory_space<hbm>>
        tpu.enqueue_dma source(%arg8 : memref<128x256xf32, #tpu.memory_space<vmem>>) target(%dma_start3A_25 : memref<128x256xf32, #tpu.memory_space<hbm>>) target_semaphore(%run_scoped3A : memref<!tpu.dma_semaphore, #tpu.memory_space<semaphore_mem>>)
        %dma_wait3A_26 = arith.constant 0 : i32
        %dma_wait3A_27 = tpu.memref_slice %arg5[%add3A_11, %dma_wait3A_26] : memref<131072x256xf32, #tpu.memory_space<hbm>> -> memref<128x256xf32, #tpu.memory_space<hbm>>
        %dma_wait3A_28 = arith.constant 0 : i32
        %dma_wait3A_29 = tpu.memref_slice %arg5[%add3A_11, %dma_wait3A_28] : memref<131072x256xf32, #tpu.memory_space<hbm>> -> memref<128x256xf32, #tpu.memory_space<hbm>>
        tpu.wait_dma2 semaphore(%run_scoped3A : memref<!tpu.dma_semaphore, #tpu.memory_space<semaphore_mem>>) src(%arg8 : memref<128x256xf32, #tpu.memory_space<vmem>>) dst(%dma_wait3A_29 : memref<128x256xf32, #tpu.memory_space<hbm>>)
        tpu.yield
      }) : () -> ()
      "tpu.region"() ({
        %run_scoped3A = tpu.sem_alloc : memref<!tpu.dma_semaphore, #tpu.memory_space<semaphore_mem>>
        %dma_start3A_22 = arith.constant 0 : i32
        %dma_start3A_23 = tpu.memref_slice %arg6[%add3A_11, %dma_start3A_22] : memref<131072x128xf32, #tpu.memory_space<hbm>> -> memref<128x128xf32, #tpu.memory_space<hbm>>
        %dma_start3A_24 = arith.constant 0 : i32
        %dma_start3A_25 = tpu.memref_slice %arg6[%add3A_11, %dma_start3A_24] : memref<131072x128xf32, #tpu.memory_space<hbm>> -> memref<128x128xf32, #tpu.memory_space<hbm>>
        tpu.enqueue_dma source(%arg9 : memref<128x128xf32, #tpu.memory_space<vmem>>) target(%dma_start3A_25 : memref<128x128xf32, #tpu.memory_space<hbm>>) target_semaphore(%run_scoped3A : memref<!tpu.dma_semaphore, #tpu.memory_space<semaphore_mem>>)
        %dma_wait3A_26 = arith.constant 0 : i32
        %dma_wait3A_27 = tpu.memref_slice %arg6[%add3A_11, %dma_wait3A_26] : memref<131072x128xf32, #tpu.memory_space<hbm>> -> memref<128x128xf32, #tpu.memory_space<hbm>>
        %dma_wait3A_28 = arith.constant 0 : i32
        %dma_wait3A_29 = tpu.memref_slice %arg6[%add3A_11, %dma_wait3A_28] : memref<131072x128xf32, #tpu.memory_space<hbm>> -> memref<128x128xf32, #tpu.memory_space<hbm>>
        tpu.wait_dma2 semaphore(%run_scoped3A : memref<!tpu.dma_semaphore, #tpu.memory_space<semaphore_mem>>) src(%arg9 : memref<128x128xf32, #tpu.memory_space<vmem>>) dst(%dma_wait3A_29 : memref<128x128xf32, #tpu.memory_space<hbm>>)
        tpu.yield
      }) : () -> ()
    }
    %scan3A_7 = arith.constant 32 : i32
    return
  }
}

module attributes {stable_mosaic.version = 14 : i64} {
  func.func @_stats_body(%arg0: memref<1x256xf32, #tpu.memory_space<vmem>>, %arg1: memref<256x256xf32, #tpu.memory_space<vmem>>, %arg2: memref<256x256xf32, #tpu.memory_space<vmem>>, %arg3: memref<1x256xf32, #tpu.memory_space<vmem>>, %arg4: memref<1x256xf32, #tpu.memory_space<vmem>>, %arg5: memref<1x256xf32, #tpu.memory_space<vmem>>, %arg6: memref<1x256xf32, #tpu.memory_space<vmem>>, %arg7: memref<1x256xf32, #tpu.memory_space<vmem>>, %arg8: memref<256x256xf32, #tpu.memory_space<vmem>>, %arg9: memref<1x256xf32, #tpu.memory_space<vmem>>) attributes {dimension_semantics = [], scalar_prefetch = 0 : i64, scratch_operands = 0 : i64, tpu.core_type = #tpu.core_type<tc>} {
    %get3A = arith.constant 0 : index
    %get3A_0 = arith.constant 0 : index
    %get3A_1 = vector.load %arg0[%get3A, %get3A_0] : memref<1x256xf32, #tpu.memory_space<vmem>>, vector<1x256xf32>
    %get3A_2 = arith.constant 0 : index
    %get3A_3 = arith.constant 0 : index
    %get3A_4 = vector.load %arg1[%get3A_2, %get3A_3] : memref<256x256xf32, #tpu.memory_space<vmem>>, vector<256x256xf32>
    %div3A = arith.constant 4.096000e+03 : f32
    %div3A_5 = vector.broadcast %div3A : f32 to vector<1x256xf32>
    %div3A_6 = arith.divf %get3A_1, %div3A_5 : vector<1x256xf32>
    %iota3A = tpu.iota {dimensions = array<i32: 0>} : vector<256x256xi32>
    %iota3A_7 = tpu.iota {dimensions = array<i32: 1>} : vector<256x256xi32>
    %eq3A = arith.cmpi eq, %iota3A, %iota3A_7 : vector<256x256xi32>
    %convert_element_type3A = arith.extui %eq3A : vector<256x256xi1> to vector<256x256xi32>
    %convert_element_type3A_8 = arith.sitofp %convert_element_type3A : vector<256x256xi32> to vector<256x256xf32>
    %mul3A = arith.mulf %get3A_4, %convert_element_type3A_8 : vector<256x256xf32>
    %reduce_sum3A = arith.constant dense<0.000000e+00> : vector<256xf32>
    %reduce_sum3A_9 = vector.multi_reduction <add>, %mul3A, %reduce_sum3A [0] : vector<256x256xf32> to vector<256xf32>
    %broadcast_in_dim3A = vector.shape_cast %reduce_sum3A_9 : vector<256xf32> to vector<1x256xf32>
    %div3A_10 = arith.constant 4.096000e+03 : f32
    %div3A_11 = vector.broadcast %div3A_10 : f32 to vector<1x256xf32>
    %div3A_12 = arith.divf %broadcast_in_dim3A, %div3A_11 : vector<1x256xf32>
    %mul3A_13 = arith.mulf %div3A_6, %div3A_6 : vector<1x256xf32>
    %sub3A = arith.subf %div3A_12, %mul3A_13 : vector<1x256xf32>
    %get3A_14 = arith.constant 0 : index
    %get3A_15 = arith.constant 0 : index
    %get3A_16 = vector.load %arg4[%get3A_14, %get3A_15] : memref<1x256xf32, #tpu.memory_space<vmem>>, vector<1x256xf32>
    %add3A = arith.constant 9.99999974E-6 : f32
    %add3A_17 = vector.broadcast %add3A : f32 to vector<1x256xf32>
    %add3A_18 = arith.addf %sub3A, %add3A_17 : vector<1x256xf32>
    %sqrt3A = math.sqrt %add3A_18 : vector<1x256xf32>
    %div3A_19 = arith.divf %get3A_16, %sqrt3A : vector<1x256xf32>
    %get3A_20 = arith.constant 0 : index
    %get3A_21 = arith.constant 0 : index
    %get3A_22 = vector.load %arg5[%get3A_20, %get3A_21] : memref<1x256xf32, #tpu.memory_space<vmem>>, vector<1x256xf32>
    %mul3A_23 = arith.mulf %div3A_19, %div3A_6 : vector<1x256xf32>
    %sub3A_24 = arith.subf %get3A_22, %mul3A_23 : vector<1x256xf32>
    %get3A_25 = arith.constant 0 : index
    %get3A_26 = arith.constant 0 : index
    %get3A_27 = vector.load %arg2[%get3A_25, %get3A_26] : memref<256x256xf32, #tpu.memory_space<vmem>>, vector<256x256xf32>
    %mul3A_28 = vector.broadcast %div3A_19 : vector<1x256xf32> to vector<256x256xf32>
    %mul3A_29 = arith.mulf %get3A_27, %mul3A_28 : vector<256x256xf32>
    %dot_general3A = arith.constant dense<0.000000e+00> : vector<1x256xf32>
    %dot_general3A_30 = tpu.matmul %sub3A_24, %get3A_27, %dot_general3A {dimension_numbers = #tpu.dot_dimension_numbers<[1], [1], [0], [0], [0, 0, 1, 0], [], []>, transpose_lhs_hint = false} : vector<1x256xf32>, vector<256x256xf32>, vector<1x256xf32> -> vector<1x256xf32>
    %get3A_31 = arith.constant 0 : index
    %get3A_32 = arith.constant 0 : index
    %get3A_33 = vector.load %arg3[%get3A_31, %get3A_32] : memref<1x256xf32, #tpu.memory_space<vmem>>, vector<1x256xf32>
    %add3A_34 = arith.addf %dot_general3A_30, %get3A_33 : vector<1x256xf32>
    %dot_general3A_35 = arith.constant dense<0.000000e+00> : vector<1x256xf32>
    %dot_general3A_36 = tpu.matmul %div3A_6, %mul3A_29, %dot_general3A_35 {dimension_numbers = #tpu.dot_dimension_numbers<[1], [1], [0], [0], [0, 0, 1, 0], [], []>, transpose_lhs_hint = false} : vector<1x256xf32>, vector<256x256xf32>, vector<1x256xf32> -> vector<1x256xf32>
    %add3A_37 = arith.addf %dot_general3A_36, %add3A_34 : vector<1x256xf32>
    %dot_general3A_38 = arith.constant dense<0.000000e+00> : vector<1x256xf32>
    %dot_general3A_39 = tpu.matmul %get3A_1, %mul3A_29, %dot_general3A_38 {dimension_numbers = #tpu.dot_dimension_numbers<[1], [1], [0], [0], [0, 0, 1, 0], [], []>, transpose_lhs_hint = false} : vector<1x256xf32>, vector<256x256xf32>, vector<1x256xf32> -> vector<1x256xf32>
    %dot_general3A_40 = arith.constant dense<0.000000e+00> : vector<256x256xf32>
    %dot_general3A_41 = tpu.matmul %get3A_4, %mul3A_29, %dot_general3A_40 {dimension_numbers = #tpu.dot_dimension_numbers<[1], [1], [0], [0], [0, 0, 1, 0], [], []>, transpose_lhs_hint = false} : vector<256x256xf32>, vector<256x256xf32>, vector<256x256xf32> -> vector<256x256xf32>
    %transpose3A = tpu.transpose %mul3A_29, [1, 0] : vector<256x256xf32> -> vector<256x256xf32>
    %mul3A_42 = arith.mulf %transpose3A, %dot_general3A_41 : vector<256x256xf32>
    %reduce_sum3A_43 = arith.constant dense<0.000000e+00> : vector<256xf32>
    %reduce_sum3A_44 = vector.multi_reduction <add>, %mul3A_42, %reduce_sum3A_43 [0] : vector<256x256xf32> to vector<256xf32>
    %broadcast_in_dim3A_45 = vector.shape_cast %reduce_sum3A_44 : vector<256xf32> to vector<1x256xf32>
    %div3A_46 = arith.constant 4.096000e+03 : f32
    %div3A_47 = vector.broadcast %div3A_46 : f32 to vector<1x256xf32>
    %div3A_48 = arith.divf %broadcast_in_dim3A_45, %div3A_47 : vector<1x256xf32>
    %mul3A_49 = arith.constant 2.000000e+00 : f32
    %mul3A_50 = vector.broadcast %mul3A_49 : f32 to vector<1x256xf32>
    %mul3A_51 = arith.mulf %mul3A_50, %add3A_34 : vector<1x256xf32>
    %mul3A_52 = arith.mulf %mul3A_51, %dot_general3A_39 : vector<1x256xf32>
    %div3A_53 = arith.constant 4.096000e+03 : f32
    %div3A_54 = vector.broadcast %div3A_53 : f32 to vector<1x256xf32>
    %div3A_55 = arith.divf %mul3A_52, %div3A_54 : vector<1x256xf32>
    %add3A_56 = arith.addf %div3A_48, %div3A_55 : vector<1x256xf32>
    %mul3A_57 = arith.mulf %add3A_34, %add3A_34 : vector<1x256xf32>
    %add3A_58 = arith.addf %add3A_56, %mul3A_57 : vector<1x256xf32>
    %mul3A_59 = arith.mulf %add3A_37, %add3A_37 : vector<1x256xf32>
    %sub3A_60 = arith.subf %add3A_58, %mul3A_59 : vector<1x256xf32>
    %get3A_61 = arith.constant 0 : index
    %get3A_62 = arith.constant 0 : index
    %get3A_63 = vector.load %arg6[%get3A_61, %get3A_62] : memref<1x256xf32, #tpu.memory_space<vmem>>, vector<1x256xf32>
    %add3A_64 = arith.constant 9.99999974E-6 : f32
    %add3A_65 = vector.broadcast %add3A_64 : f32 to vector<1x256xf32>
    %add3A_66 = arith.addf %sub3A_60, %add3A_65 : vector<1x256xf32>
    %sqrt3A_67 = math.sqrt %add3A_66 : vector<1x256xf32>
    %div3A_68 = arith.divf %get3A_63, %sqrt3A_67 : vector<1x256xf32>
    %get3A_69 = arith.constant 0 : index
    %get3A_70 = arith.constant 0 : index
    %get3A_71 = vector.load %arg7[%get3A_69, %get3A_70] : memref<1x256xf32, #tpu.memory_space<vmem>>, vector<1x256xf32>
    %mul3A_72 = arith.mulf %div3A_68, %add3A_37 : vector<1x256xf32>
    %sub3A_73 = arith.subf %get3A_71, %mul3A_72 : vector<1x256xf32>
    %mul3A_74 = vector.broadcast %div3A_68 : vector<1x256xf32> to vector<256x256xf32>
    %mul3A_75 = arith.mulf %transpose3A, %mul3A_74 : vector<256x256xf32>
    %swap3A = arith.constant 0 : index
    %swap3A_76 = arith.constant 0 : index
    %swap3A_77 = vector.load %arg8[%swap3A, %swap3A_76] : memref<256x256xf32, #tpu.memory_space<vmem>>, vector<256x256xf32>
    tpu.vector_store %arg8[%swap3A, %swap3A_76], %mul3A_75 {strides = array<i32>} : memref<256x256xf32, #tpu.memory_space<vmem>>, vector<256x256xf32>,
    %mul3A_78 = arith.mulf %div3A_68, %add3A_34 : vector<1x256xf32>
    %add3A_79 = arith.addf %mul3A_78, %sub3A_73 : vector<1x256xf32>
    %swap3A_80 = arith.constant 0 : index
    %swap3A_81 = arith.constant 0 : index
    %swap3A_82 = vector.load %arg9[%swap3A_80, %swap3A_81] : memref<1x256xf32, #tpu.memory_space<vmem>>, vector<1x256xf32>
    tpu.vector_store %arg9[%swap3A_80, %swap3A_81], %add3A_79 {strides = array<i32>} : memref<1x256xf32, #tpu.memory_space<vmem>>, vector<1x256xf32>,
    return
  }
}

module attributes {stable_mosaic.version = 14 : i64} {
  func.func @_main_body(%arg0: i32, %arg1: memref<4096x256xf32, #tpu.memory_space<vmem>>, %arg2: memref<4096x128xf32, #tpu.memory_space<vmem>>, %arg3: memref<128x128xf32, #tpu.memory_space<vmem>>, %arg4: memref<128x32xf32, #tpu.memory_space<vmem>>, %arg5: memref<256x128xf32, #tpu.memory_space<vmem>>, %arg6: memref<256x128xf32, #tpu.memory_space<vmem>>, %arg7: memref<768x256xf32, #tpu.memory_space<vmem>>, %arg8: memref<1x768xf32, #tpu.memory_space<vmem>>, %arg9: memref<1x256xf32, #tpu.memory_space<vmem>>, %arg10: memref<1x256xf32, #tpu.memory_space<vmem>>, %arg11: memref<256x256xf32, #tpu.memory_space<vmem>>, %arg12: memref<1x256xf32, #tpu.memory_space<vmem>>, %arg13: memref<512x256xf32, #tpu.memory_space<vmem>>, %arg14: memref<1x512xf32, #tpu.memory_space<vmem>>, %arg15: memref<256x512xf32, #tpu.memory_space<vmem>>, %arg16: memref<1x256xf32, #tpu.memory_space<vmem>>, %arg17: memref<128x256xf32, #tpu.memory_space<vmem>>, %arg18: memref<1x256xf32, #tpu.memory_space<vmem>>, %arg19: memref<256x256xf32, #tpu.memory_space<vmem>>) attributes {dimension_semantics = [#tpu.dimension_semantics<arbitrary>], iteration_bounds = array<i64: 32>, scalar_prefetch = 0 : i64, scratch_operands = 0 : i64, tpu.core_type = #tpu.core_type<tc>, window_params = [{transform_indices = @transform_0, window_bounds = array<i64: 4096, 256>}, {transform_indices = @transform_1, window_bounds = array<i64: 4096, 128>}, {transform_indices = @transform_2, window_bounds = array<i64: 128, 128>}, {transform_indices = @transform_3, window_bounds = array<i64: 128, 32>}, {pipeline_mode = #tpu.pipeline_mode<synchronous>, transform_indices = @transform_4, window_bounds = array<i64: 256, 128>}, {pipeline_mode = #tpu.pipeline_mode<synchronous>, transform_indices = @transform_5, window_bounds = array<i64: 256, 128>}, {pipeline_mode = #tpu.pipeline_mode<synchronous>, transform_indices = @transform_6, window_bounds = array<i64: 768, 256>}, {pipeline_mode = #tpu.pipeline_mode<synchronous>, transform_indices = @transform_7, window_bounds = array<i64: 1, 768>}, {pipeline_mode = #tpu.pipeline_mode<synchronous>, transform_indices = @transform_8, window_bounds = array<i64: 1, 256>}, {pipeline_mode = #tpu.pipeline_mode<synchronous>, transform_indices = @transform_9, window_bounds = array<i64: 1, 256>}, {pipeline_mode = #tpu.pipeline_mode<synchronous>, transform_indices = @transform_10, window_bounds = array<i64: 256, 256>}, {pipeline_mode = #tpu.pipeline_mode<synchronous>, transform_indices = @transform_11, window_bounds = array<i64: 1, 256>}, {pipeline_mode = #tpu.pipeline_mode<synchronous>, transform_indices = @transform_12, window_bounds = array<i64: 512, 256>}, {pipeline_mode = #tpu.pipeline_mode<synchronous>, transform_indices = @transform_13, window_bounds = array<i64: 1, 512>}, {pipeline_mode = #tpu.pipeline_mode<synchronous>, transform_indices = @transform_14, window_bounds = array<i64: 256, 512>}, {pipeline_mode = #tpu.pipeline_mode<synchronous>, transform_indices = @transform_15, window_bounds = array<i64: 1, 256>}, {transform_indices = @transform_16, window_bounds = array<i64: 128, 256>}, {pipeline_mode = #tpu.pipeline_mode<synchronous>, transform_indices = @transform_17, window_bounds = array<i64: 1, 256>}, {pipeline_mode = #tpu.pipeline_mode<synchronous>, transform_indices = @transform_18, window_bounds = array<i64: 256, 256>}]} {
    %get3A = arith.constant 0 : index
    %get3A_0 = arith.constant 0 : index
    %get3A_1 = vector.load %arg1[%get3A, %get3A_0] : memref<4096x256xf32, #tpu.memory_space<vmem>>, vector<4096x256xf32>
    %get3A_2 = arith.constant 0 : index
    %get3A_3 = arith.constant 0 : index
    %get3A_4 = vector.load %arg2[%get3A_2, %get3A_3] : memref<4096x128xf32, #tpu.memory_space<vmem>>, vector<4096x128xf32>
    %get3A_5 = arith.constant 0 : index
    %get3A_6 = arith.constant 0 : index
    %get3A_7 = vector.load %arg3[%get3A_5, %get3A_6] : memref<128x128xf32, #tpu.memory_space<vmem>>, vector<128x128xf32>
    %reshape3A = vector.shape_cast %get3A_4 : vector<4096x128xf32> to vector<128x32x128xf32>
    %broadcast_in_dim3A = vector.shape_cast %get3A_7 : vector<128x128xf32> to vector<128x1x128xf32>
    %sub3A = vector.broadcast %broadcast_in_dim3A : vector<128x1x128xf32> to vector<128x32x128xf32>
    %sub3A_8 = arith.subf %reshape3A, %sub3A : vector<128x32x128xf32>
    %reshape3A_9 = vector.shape_cast %sub3A_8 : vector<128x32x128xf32> to vector<4096x128xf32>
    %get3A_10 = arith.constant 0 : index
    %get3A_11 = arith.constant 0 : index
    %get3A_12 = vector.load %arg5[%get3A_10, %get3A_11] : memref<256x128xf32, #tpu.memory_space<vmem>>, vector<256x128xf32>
    %dot_general3A = arith.constant dense<0.000000e+00> : vector<4096x256xf32>
    %dot_general3A_13 = tpu.matmul %reshape3A_9, %get3A_12, %dot_general3A {dimension_numbers = #tpu.dot_dimension_numbers<[1], [1], [0], [0], [0, 0, 1, 0], [], []>, transpose_lhs_hint = false} : vector<4096x128xf32>, vector<256x128xf32>, vector<4096x256xf32> -> vector<4096x256xf32>
    %get3A_14 = arith.constant 0 : index
    %get3A_15 = arith.constant 0 : index
    %get3A_16 = vector.load %arg9[%get3A_14, %get3A_15] : memref<1x256xf32, #tpu.memory_space<vmem>>, vector<1x256xf32>
    %add3A = vector.broadcast %get3A_16 : vector<1x256xf32> to vector<4096x256xf32>
    %add3A_17 = arith.addf %dot_general3A_13, %add3A : vector<4096x256xf32>
    %max3A = arith.constant 0.000000e+00 : f32
    %max3A_18 = vector.broadcast %max3A : f32 to vector<4096x256xf32>
    %max3A_19 = arith.maximumf %add3A_17, %max3A_18 : vector<4096x256xf32>
    %add3A_20 = arith.addf %get3A_1, %max3A_19 : vector<4096x256xf32>
    %get3A_21 = arith.constant 0 : index
    %get3A_22 = arith.constant 0 : index
    %get3A_23 = vector.load %arg7[%get3A_21, %get3A_22] : memref<768x256xf32, #tpu.memory_space<vmem>>, vector<768x256xf32>
    %get3A_24 = arith.constant 0 : index
    %get3A_25 = arith.constant 0 : index
    %get3A_26 = vector.load %arg8[%get3A_24, %get3A_25] : memref<1x768xf32, #tpu.memory_space<vmem>>, vector<1x768xf32>
    %slice3A = vector.extract_strided_slice %get3A_23 {offsets = [256, 0], sizes = [256, 256], strides = [1, 1]} : vector<768x256xf32> to vector<256x256xf32>
    %dot_general3A_27 = arith.constant dense<0.000000e+00> : vector<4096x256xf32>
    %dot_general3A_28 = tpu.matmul %add3A_20, %slice3A, %dot_general3A_27 {dimension_numbers = #tpu.dot_dimension_numbers<[1], [1], [0], [0], [0, 0, 1, 0], [], []>, transpose_lhs_hint = false} : vector<4096x256xf32>, vector<256x256xf32>, vector<4096x256xf32> -> vector<4096x256xf32>
    %slice3A_29 = vector.extract_strided_slice %get3A_26 {offsets = [0, 256], sizes = [1, 256], strides = [1, 1]} : vector<1x768xf32> to vector<1x256xf32>
    %add3A_30 = vector.broadcast %slice3A_29 : vector<1x256xf32> to vector<4096x256xf32>
    %add3A_31 = arith.addf %dot_general3A_28, %add3A_30 : vector<4096x256xf32>
    %slice3A_32 = vector.extract_strided_slice %get3A_23 {offsets = [512, 0], sizes = [256, 256], strides = [1, 1]} : vector<768x256xf32> to vector<256x256xf32>
    %dot_general3A_33 = arith.constant dense<0.000000e+00> : vector<4096x256xf32>
    %dot_general3A_34 = tpu.matmul %add3A_20, %slice3A_32, %dot_general3A_33 {dimension_numbers = #tpu.dot_dimension_numbers<[1], [1], [0], [0], [0, 0, 1, 0], [], []>, transpose_lhs_hint = false} : vector<4096x256xf32>, vector<256x256xf32>, vector<4096x256xf32> -> vector<4096x256xf32>
    %slice3A_35 = vector.extract_strided_slice %get3A_26 {offsets = [0, 512], sizes = [1, 256], strides = [1, 1]} : vector<1x768xf32> to vector<1x256xf32>
    %add3A_36 = vector.broadcast %slice3A_35 : vector<1x256xf32> to vector<4096x256xf32>
    %add3A_37 = arith.addf %dot_general3A_34, %add3A_36 : vector<4096x256xf32>
    %get3A_38 = arith.constant 0 : index
    %get3A_39 = arith.constant 0 : index
    %get3A_40 = vector.load %arg6[%get3A_38, %get3A_39] : memref<256x128xf32, #tpu.memory_space<vmem>>, vector<256x128xf32>
    %dot_general3A_41 = arith.constant dense<0.000000e+00> : vector<128x256xf32>
    %dot_general3A_42 = tpu.matmul %get3A_7, %get3A_40, %dot_general3A_41 {dimension_numbers = #tpu.dot_dimension_numbers<[1], [1], [0], [0], [0, 0, 1, 0], [], []>, transpose_lhs_hint = false} : vector<128x128xf32>, vector<256x128xf32>, vector<128x256xf32> -> vector<128x256xf32>
    %get3A_43 = arith.constant 0 : index
    %get3A_44 = arith.constant 0 : index
    %get3A_45 = vector.load %arg10[%get3A_43, %get3A_44] : memref<1x256xf32, #tpu.memory_space<vmem>>, vector<1x256xf32>
    %add3A_46 = vector.broadcast %get3A_45 : vector<1x256xf32> to vector<128x256xf32>
    %add3A_47 = arith.addf %dot_general3A_42, %add3A_46 : vector<128x256xf32>
    %max3A_48 = arith.constant 0.000000e+00 : f32
    %max3A_49 = vector.broadcast %max3A_48 : f32 to vector<128x256xf32>
    %max3A_50 = arith.maximumf %add3A_47, %max3A_49 : vector<128x256xf32>
    %slice3A_51 = vector.extract_strided_slice %get3A_23 {offsets = [0, 0], sizes = [256, 256], strides = [1, 1]} : vector<768x256xf32> to vector<256x256xf32>
    %dot_general3A_52 = arith.constant dense<0.000000e+00> : vector<128x256xf32>
    %dot_general3A_53 = tpu.matmul %max3A_50, %slice3A_51, %dot_general3A_52 {dimension_numbers = #tpu.dot_dimension_numbers<[1], [1], [0], [0], [0, 0, 1, 0], [], []>, transpose_lhs_hint = false} : vector<128x256xf32>, vector<256x256xf32>, vector<128x256xf32> -> vector<128x256xf32>
    %slice3A_54 = vector.extract_strided_slice %get3A_26 {offsets = [0, 0], sizes = [1, 256], strides = [1, 1]} : vector<1x768xf32> to vector<1x256xf32>
    %add3A_55 = vector.broadcast %slice3A_54 : vector<1x256xf32> to vector<128x256xf32>
    %add3A_56 = arith.addf %dot_general3A_53, %add3A_55 : vector<128x256xf32>
    %iota3A = tpu.iota {dimensions = array<i32: 0>} : vector<256x8xi32>
    %iota3A_57 = tpu.iota {dimensions = array<i32: 1>} : vector<256x8xi32>
    %jit3A = arith.constant 32 : i32
    %div3A = vector.broadcast %jit3A : i32 to vector<256x8xi32>
    %div3A_58 = arith.divsi %iota3A, %div3A : vector<256x8xi32>
    %sign3A = arith.constant 0 : i32
    %sign3A_59 = vector.broadcast %sign3A : i32 to vector<256x8xi32>
    %sign3A_60 = arith.cmpi sgt, %iota3A, %sign3A_59 : vector<256x8xi32>
    %sign3A_61 = arith.extui %sign3A_60 : vector<256x8xi1> to vector<256x8xi32>
    %sign3A_62 = arith.constant 0 : i32
    %sign3A_63 = vector.broadcast %sign3A_62 : i32 to vector<256x8xi32>
    %sign3A_64 = arith.cmpi slt, %iota3A, %sign3A_63 : vector<256x8xi32>
    %sign3A_65 = arith.extui %sign3A_64 : vector<256x8xi1> to vector<256x8xi32>
    %sign3A_66 = arith.subi %sign3A_61, %sign3A_65 : vector<256x8xi32>
    %sign3A_67 = arith.constant 0 : i32
    %sign3A_68 = arith.cmpi sgt, %jit3A, %sign3A_67 : i32
    %sign3A_69 = arith.extui %sign3A_68 : i1 to i32
    %sign3A_70 = arith.constant 0 : i32
    %sign3A_71 = arith.cmpi slt, %jit3A, %sign3A_70 : i32
    %sign3A_72 = arith.extui %sign3A_71 : i1 to i32
    %sign3A_73 = arith.subi %sign3A_69, %sign3A_72 : i32
    %ne3A = vector.broadcast %sign3A_73 : i32 to vector<256x8xi32>
    %ne3A_74 = arith.cmpi ne, %sign3A_66, %ne3A : vector<256x8xi32>
    %rem3A = vector.broadcast %jit3A : i32 to vector<256x8xi32>
    %rem3A_75 = arith.remsi %iota3A, %rem3A : vector<256x8xi32>
    %ne3A_76 = arith.constant 0 : i32
    %ne3A_77 = vector.broadcast %ne3A_76 : i32 to vector<256x8xi32>
    %ne3A_78 = arith.cmpi ne, %rem3A_75, %ne3A_77 : vector<256x8xi32>
    %and3A = arith.andi %ne3A_74, %ne3A_78 : vector<256x8xi1>
    %sub3A_79 = arith.constant 1 : i32
    %sub3A_80 = vector.broadcast %sub3A_79 : i32 to vector<256x8xi32>
    %sub3A_81 = arith.subi %div3A_58, %sub3A_80 : vector<256x8xi32>
    %select_n3A = arith.select %and3A, %sub3A_81, %div3A_58 : vector<256x8xi1>, vector<256x8xi32>
    %eq3A = arith.cmpi eq, %select_n3A, %iota3A_57 : vector<256x8xi32>
    %convert_element_type3A = arith.extui %eq3A : vector<256x8xi1> to vector<256x8xi32>
    %convert_element_type3A_82 = arith.sitofp %convert_element_type3A : vector<256x8xi32> to vector<256x8xf32>
    %reshape3A_83 = vector.shape_cast %add3A_31 : vector<4096x256xf32> to vector<128x32x256xf32>
    %broadcast_in_dim3A_84 = vector.shape_cast %add3A_56 : vector<128x256xf32> to vector<128x1x256xf32>
    %mul3A = vector.broadcast %broadcast_in_dim3A_84 : vector<128x1x256xf32> to vector<128x32x256xf32>
    %mul3A_85 = arith.mulf %reshape3A_83, %mul3A : vector<128x32x256xf32>
    %reshape3A_86 = vector.shape_cast %mul3A_85 : vector<128x32x256xf32> to vector<4096x256xf32>
    %dot_general3A_87 = arith.constant dense<0.000000e+00> : vector<4096x8xf32>
    %dot_general3A_88 = tpu.matmul %reshape3A_86, %convert_element_type3A_82, %dot_general3A_87 {dimension_numbers = #tpu.dot_dimension_numbers<[1], [0], [0], [1], [0, 0, 1, 1], [], []>, transpose_lhs_hint = false} : vector<4096x256xf32>, vector<256x8xf32>, vector<4096x8xf32> -> vector<4096x8xf32>
    %mul3A_89 = arith.constant 0.176776692 : f32
    %mul3A_90 = vector.broadcast %mul3A_89 : f32 to vector<4096x8xf32>
    %mul3A_91 = arith.mulf %dot_general3A_88, %mul3A_90 : vector<4096x8xf32>
    %reshape3A_92 = vector.shape_cast %mul3A_91 : vector<4096x8xf32> to vector<128x32x8xf32>
    %get3A_93 = arith.constant 0 : index
    %get3A_94 = arith.constant 0 : index
    %get3A_95 = vector.load %arg4[%get3A_93, %get3A_94] : memref<128x32xf32, #tpu.memory_space<vmem>>, vector<128x32xf32>
    %broadcast_in_dim3A_96 = vector.shape_cast %get3A_95 : vector<128x32xf32> to vector<128x32x1xf32>
    %mul3A_97 = arith.constant 1.000000e+30 : f32
    %mul3A_98 = vector.broadcast %mul3A_97 : f32 to vector<128x32x1xf32>
    %mul3A_99 = arith.mulf %broadcast_in_dim3A_96, %mul3A_98 : vector<128x32x1xf32>
    %sub3A_100 = vector.broadcast %mul3A_99 : vector<128x32x1xf32> to vector<128x32x8xf32>
    %sub3A_101 = arith.subf %reshape3A_92, %sub3A_100 : vector<128x32x8xf32>
    %reduce_max3A = arith.constant dense<0xFF800000> : vector<128x8xf32>
    %reduce_max3A_102 = vector.multi_reduction <maximumf>, %sub3A_101, %reduce_max3A [1] : vector<128x32x8xf32> to vector<128x8xf32>
    %broadcast_in_dim3A_103 = vector.shape_cast %reduce_max3A_102 : vector<128x8xf32> to vector<128x1x8xf32>
    %sub3A_104 = vector.broadcast %broadcast_in_dim3A_103 : vector<128x1x8xf32> to vector<128x32x8xf32>
    %sub3A_105 = arith.subf %sub3A_101, %sub3A_104 : vector<128x32x8xf32>
    %exp3A = math.exp %sub3A_105 : vector<128x32x8xf32>
    %reduce_sum3A = arith.constant dense<0.000000e+00> : vector<128x8xf32>
    %reduce_sum3A_106 = vector.multi_reduction <add>, %exp3A, %reduce_sum3A [1] : vector<128x32x8xf32> to vector<128x8xf32>
    %broadcast_in_dim3A_107 = vector.shape_cast %reduce_sum3A_106 : vector<128x8xf32> to vector<128x1x8xf32>
    %div3A_108 = vector.broadcast %broadcast_in_dim3A_107 : vector<128x1x8xf32> to vector<128x32x8xf32>
    %div3A_109 = arith.divf %exp3A, %div3A_108 : vector<128x32x8xf32>
    %reshape3A_110 = vector.shape_cast %div3A_109 : vector<128x32x8xf32> to vector<4096x8xf32>
    %dot_general3A_111 = arith.constant dense<0.000000e+00> : vector<4096x256xf32>
    %dot_general3A_112 = tpu.matmul %reshape3A_110, %convert_element_type3A_82, %dot_general3A_111 {dimension_numbers = #tpu.dot_dimension_numbers<[1], [1], [0], [0], [0, 0, 1, 0], [], []>, transpose_lhs_hint = false} : vector<4096x8xf32>, vector<256x8xf32>, vector<4096x256xf32> -> vector<4096x256xf32>
    %mul3A_113 = arith.mulf %dot_general3A_112, %add3A_37 : vector<4096x256xf32>
    %reshape3A_114 = vector.shape_cast %mul3A_113 : vector<4096x256xf32> to vector<128x32x256xf32>
    %reduce_sum3A_115 = arith.constant dense<0.000000e+00> : vector<128x256xf32>
    %reduce_sum3A_116 = vector.multi_reduction <add>, %reshape3A_114, %reduce_sum3A_115 [1] : vector<128x32x256xf32> to vector<128x256xf32>
    %get3A_117 = arith.constant 0 : index
    %get3A_118 = arith.constant 0 : index
    %get3A_119 = vector.load %arg11[%get3A_117, %get3A_118] : memref<256x256xf32, #tpu.memory_space<vmem>>, vector<256x256xf32>
    %dot_general3A_120 = arith.constant dense<0.000000e+00> : vector<128x256xf32>
    %dot_general3A_121 = tpu.matmul %reduce_sum3A_116, %get3A_119, %dot_general3A_120 {dimension_numbers = #tpu.dot_dimension_numbers<[1], [1], [0], [0], [0, 0, 1, 0], [], []>, transpose_lhs_hint = false} : vector<128x256xf32>, vector<256x256xf32>, vector<128x256xf32> -> vector<128x256xf32>
    %get3A_122 = arith.constant 0 : index
    %get3A_123 = arith.constant 0 : index
    %get3A_124 = vector.load %arg12[%get3A_122, %get3A_123] : memref<1x256xf32, #tpu.memory_space<vmem>>, vector<1x256xf32>
    %add3A_125 = vector.broadcast %get3A_124 : vector<1x256xf32> to vector<128x256xf32>
    %add3A_126 = arith.addf %dot_general3A_121, %add3A_125 : vector<128x256xf32>
    %get3A_127 = arith.constant 0 : index
    %get3A_128 = arith.constant 0 : index
    %get3A_129 = vector.load %arg13[%get3A_127, %get3A_128] : memref<512x256xf32, #tpu.memory_space<vmem>>, vector<512x256xf32>
    %dot_general3A_130 = arith.constant dense<0.000000e+00> : vector<128x512xf32>
    %dot_general3A_131 = tpu.matmul %add3A_126, %get3A_129, %dot_general3A_130 {dimension_numbers = #tpu.dot_dimension_numbers<[1], [1], [0], [0], [0, 0, 1, 0], [], []>, transpose_lhs_hint = false} : vector<128x256xf32>, vector<512x256xf32>, vector<128x512xf32> -> vector<128x512xf32>
    %get3A_132 = arith.constant 0 : index
    %get3A_133 = arith.constant 0 : index
    %get3A_134 = vector.load %arg14[%get3A_132, %get3A_133] : memref<1x512xf32, #tpu.memory_space<vmem>>, vector<1x512xf32>
    %add3A_135 = vector.broadcast %get3A_134 : vector<1x512xf32> to vector<128x512xf32>
    %add3A_136 = arith.addf %dot_general3A_131, %add3A_135 : vector<128x512xf32>
    %max3A_137 = arith.constant 0.000000e+00 : f32
    %max3A_138 = vector.broadcast %max3A_137 : f32 to vector<128x512xf32>
    %max3A_139 = arith.maximumf %add3A_136, %max3A_138 : vector<128x512xf32>
    %get3A_140 = arith.constant 0 : index
    %get3A_141 = arith.constant 0 : index
    %get3A_142 = vector.load %arg15[%get3A_140, %get3A_141] : memref<256x512xf32, #tpu.memory_space<vmem>>, vector<256x512xf32>
    %dot_general3A_143 = arith.constant dense<0.000000e+00> : vector<128x256xf32>
    %dot_general3A_144 = tpu.matmul %max3A_139, %get3A_142, %dot_general3A_143 {dimension_numbers = #tpu.dot_dimension_numbers<[1], [1], [0], [0], [0, 0, 1, 0], [], []>, transpose_lhs_hint = false} : vector<128x512xf32>, vector<256x512xf32>, vector<128x256xf32> -> vector<128x256xf32>
    %get3A_145 = arith.constant 0 : index
    %get3A_146 = arith.constant 0 : index
    %get3A_147 = vector.load %arg16[%get3A_145, %get3A_146] : memref<1x256xf32, #tpu.memory_space<vmem>>, vector<1x256xf32>
    %add3A_148 = vector.broadcast %get3A_147 : vector<1x256xf32> to vector<128x256xf32>
    %add3A_149 = arith.addf %dot_general3A_144, %add3A_148 : vector<128x256xf32>
    %add3A_150 = arith.addf %add3A_126, %add3A_149 : vector<128x256xf32>
    %swap3A = arith.constant 0 : index
    %swap3A_151 = arith.constant 0 : index
    %swap3A_152 = vector.load %arg17[%swap3A, %swap3A_151] : memref<128x256xf32, #tpu.memory_space<vmem>>, vector<128x256xf32>
    tpu.vector_store %arg17[%swap3A, %swap3A_151], %add3A_150 {strides = array<i32>} : memref<128x256xf32, #tpu.memory_space<vmem>>, vector<128x256xf32>,
    %eq3A_153 = arith.constant 0 : i32
    %eq3A_154 = arith.cmpi eq, %arg0, %eq3A_153 : i32
    %convert_element_type3A_155 = arith.extui %eq3A_154 : i1 to i32
    %cond3A = arith.constant 0 : i32
    %cond3A_156 = arith.cmpi ne, %convert_element_type3A_155, %cond3A : i32
    scf.if %cond3A_156 {
      %broadcast_in_dim3A_176 = arith.constant 0.000000e+00 : f32
      %broadcast_in_dim3A_177 = vector.broadcast %broadcast_in_dim3A_176 : f32 to vector<1x256xf32>
      %swap3A_178 = arith.constant 0 : index
      %swap3A_179 = arith.constant 0 : index
      %swap3A_180 = vector.load %arg18[%swap3A_178, %swap3A_179] : memref<1x256xf32, #tpu.memory_space<vmem>>, vector<1x256xf32>
      tpu.vector_store %arg18[%swap3A_178, %swap3A_179], %broadcast_in_dim3A_177 {strides = array<i32>} : memref<1x256xf32, #tpu.memory_space<vmem>>, vector<1x256xf32>,
      %broadcast_in_dim3A_181 = arith.constant 0.000000e+00 : f32
      %broadcast_in_dim3A_182 = vector.broadcast %broadcast_in_dim3A_181 : f32 to vector<256x256xf32>
      %swap3A_183 = arith.constant 0 : index
      %swap3A_184 = arith.constant 0 : index
      %swap3A_185 = vector.load %arg19[%swap3A_183, %swap3A_184] : memref<256x256xf32, #tpu.memory_space<vmem>>, vector<256x256xf32>
      tpu.vector_store %arg19[%swap3A_183, %swap3A_184], %broadcast_in_dim3A_182 {strides = array<i32>} : memref<256x256xf32, #tpu.memory_space<vmem>>, vector<256x256xf32>,
    } else {
    }
    %get3A_157 = arith.constant 0 : index
    %get3A_158 = arith.constant 0 : index
    %get3A_159 = vector.load %arg18[%get3A_157, %get3A_158] : memref<1x256xf32, #tpu.memory_space<vmem>>, vector<1x256xf32>
    %reduce_sum3A_160 = arith.constant dense<0.000000e+00> : vector<256xf32>
    %reduce_sum3A_161 = vector.multi_reduction <add>, %add3A_150, %reduce_sum3A_160 [0] : vector<128x256xf32> to vector<256xf32>
    %broadcast_in_dim3A_162 = vector.shape_cast %reduce_sum3A_161 : vector<256xf32> to vector<1x256xf32>
    %add3A_163 = arith.addf %get3A_159, %broadcast_in_dim3A_162 : vector<1x256xf32>
    %swap3A_164 = arith.constant 0 : index
    %swap3A_165 = arith.constant 0 : index
    %swap3A_166 = vector.load %arg18[%swap3A_164, %swap3A_165] : memref<1x256xf32, #tpu.memory_space<vmem>>, vector<1x256xf32>
    tpu.vector_store %arg18[%swap3A_164, %swap3A_165], %add3A_163 {strides = array<i32>} : memref<1x256xf32, #tpu.memory_space<vmem>>, vector<1x256xf32>,
    %get3A_167 = arith.constant 0 : index
    %get3A_168 = arith.constant 0 : index
    %get3A_169 = vector.load %arg19[%get3A_167, %get3A_168] : memref<256x256xf32, #tpu.memory_space<vmem>>, vector<256x256xf32>
    %dot_general3A_170 = arith.constant dense<0.000000e+00> : vector<256x256xf32>
    %dot_general3A_171 = tpu.matmul %add3A_150, %add3A_150, %dot_general3A_170 {dimension_numbers = #tpu.dot_dimension_numbers<[0], [0], [1], [1], [0, 1, 1, 1], [], []>, transpose_lhs_hint = false} : vector<128x256xf32>, vector<128x256xf32>, vector<256x256xf32> -> vector<256x256xf32>
    %add3A_172 = arith.addf %get3A_169, %dot_general3A_171 : vector<256x256xf32>
    %swap3A_173 = arith.constant 0 : index
    %swap3A_174 = arith.constant 0 : index
    %swap3A_175 = vector.load %arg19[%swap3A_173, %swap3A_174] : memref<256x256xf32, #tpu.memory_space<vmem>>, vector<256x256xf32>
    tpu.vector_store %arg19[%swap3A_173, %swap3A_174], %add3A_172 {strides = array<i32>} : memref<256x256xf32, #tpu.memory_space<vmem>>, vector<256x256xf32>,
    return
  }
  func.func @transform_0(%arg0: i32) -> (i32, i32) {
    %c0_i32 = arith.constant 0 : i32
    %c0_i32_0 = arith.constant 0 : i32
    return %arg0, %c0_i32 : i32, i32
  }
  func.func @transform_1(%arg0: i32) -> (i32, i32) {
    %c0_i32 = arith.constant 0 : i32
    %c0_i32_0 = arith.constant 0 : i32
    return %arg0, %c0_i32 : i32, i32
  }
  func.func @transform_2(%arg0: i32) -> (i32, i32) {
    %c0_i32 = arith.constant 0 : i32
    %c0_i32_0 = arith.constant 0 : i32
    return %arg0, %c0_i32 : i32, i32
  }
  func.func @transform_3(%arg0: i32) -> (i32, i32) {
    %c0_i32 = arith.constant 0 : i32
    %c0_i32_0 = arith.constant 0 : i32
    return %arg0, %c0_i32 : i32, i32
  }
  func.func @transform_4(%arg0: i32) -> (i32, i32) {
    %c0_i32 = arith.constant 0 : i32
    %c0_i32_0 = arith.constant 0 : i32
    %c0_i32_1 = arith.constant 0 : i32
    return %c0_i32, %c0_i32_0 : i32, i32
  }
  func.func @transform_5(%arg0: i32) -> (i32, i32) {
    %c0_i32 = arith.constant 0 : i32
    %c0_i32_0 = arith.constant 0 : i32
    %c0_i32_1 = arith.constant 0 : i32
    return %c0_i32, %c0_i32_0 : i32, i32
  }
  func.func @transform_6(%arg0: i32) -> (i32, i32) {
    %c0_i32 = arith.constant 0 : i32
    %c0_i32_0 = arith.constant 0 : i32
    %c0_i32_1 = arith.constant 0 : i32
    return %c0_i32, %c0_i32_0 : i32, i32
  }
  func.func @transform_7(%arg0: i32) -> (i32, i32) {
    %c0_i32 = arith.constant 0 : i32
    %c0_i32_0 = arith.constant 0 : i32
    %c0_i32_1 = arith.constant 0 : i32
    return %c0_i32, %c0_i32_0 : i32, i32
  }
  func.func @transform_8(%arg0: i32) -> (i32, i32) {
    %c0_i32 = arith.constant 0 : i32
    %c0_i32_0 = arith.constant 0 : i32
    %c0_i32_1 = arith.constant 0 : i32
    return %c0_i32, %c0_i32_0 : i32, i32
  }
  func.func @transform_9(%arg0: i32) -> (i32, i32) {
    %c0_i32 = arith.constant 0 : i32
    %c0_i32_0 = arith.constant 0 : i32
    %c0_i32_1 = arith.constant 0 : i32
    return %c0_i32, %c0_i32_0 : i32, i32
  }
  func.func @transform_10(%arg0: i32) -> (i32, i32) {
    %c0_i32 = arith.constant 0 : i32
    %c0_i32_0 = arith.constant 0 : i32
    %c0_i32_1 = arith.constant 0 : i32
    return %c0_i32, %c0_i32_0 : i32, i32
  }
  func.func @transform_11(%arg0: i32) -> (i32, i32) {
    %c0_i32 = arith.constant 0 : i32
    %c0_i32_0 = arith.constant 0 : i32
    %c0_i32_1 = arith.constant 0 : i32
    return %c0_i32, %c0_i32_0 : i32, i32
  }
  func.func @transform_12(%arg0: i32) -> (i32, i32) {
    %c0_i32 = arith.constant 0 : i32
    %c0_i32_0 = arith.constant 0 : i32
    %c0_i32_1 = arith.constant 0 : i32
    return %c0_i32, %c0_i32_0 : i32, i32
  }
  func.func @transform_13(%arg0: i32) -> (i32, i32) {
    %c0_i32 = arith.constant 0 : i32
    %c0_i32_0 = arith.constant 0 : i32
    %c0_i32_1 = arith.constant 0 : i32
    return %c0_i32, %c0_i32_0 : i32, i32
  }
  func.func @transform_14(%arg0: i32) -> (i32, i32) {
    %c0_i32 = arith.constant 0 : i32
    %c0_i32_0 = arith.constant 0 : i32
    %c0_i32_1 = arith.constant 0 : i32
    return %c0_i32, %c0_i32_0 : i32, i32
  }
  func.func @transform_15(%arg0: i32) -> (i32, i32) {
    %c0_i32 = arith.constant 0 : i32
    %c0_i32_0 = arith.constant 0 : i32
    %c0_i32_1 = arith.constant 0 : i32
    return %c0_i32, %c0_i32_0 : i32, i32
  }
  func.func @transform_16(%arg0: i32) -> (i32, i32) {
    %c0_i32 = arith.constant 0 : i32
    %c0_i32_0 = arith.constant 0 : i32
    return %arg0, %c0_i32 : i32, i32
  }
  func.func @transform_17(%arg0: i32) -> (i32, i32) {
    %c0_i32 = arith.constant 0 : i32
    %c0_i32_0 = arith.constant 0 : i32
    %c0_i32_1 = arith.constant 0 : i32
    return %c0_i32, %c0_i32_0 : i32, i32
  }
  func.func @transform_18(%arg0: i32) -> (i32, i32) {
    %c0_i32 = arith.constant 0 : i32
    %c0_i32_0 = arith.constant 0 : i32
    %c0_i32_1 = arith.constant 0 : i32
    return %c0_i32, %c0_i32_0 : i32, i32
  }
}

module attributes {stable_mosaic.version = 14 : i64} {
  func.func @_final_body(%arg0: i32, %arg1: memref<128x256xf32, #tpu.memory_space<vmem>>, %arg2: memref<256x256xf32, #tpu.memory_space<vmem>>, %arg3: memref<1x256xf32, #tpu.memory_space<vmem>>, %arg4: memref<128x256xf32, #tpu.memory_space<vmem>>) attributes {dimension_semantics = [#tpu.dimension_semantics<arbitrary>], iteration_bounds = array<i64: 32>, scalar_prefetch = 0 : i64, scratch_operands = 0 : i64, tpu.core_type = #tpu.core_type<tc>, window_params = [{transform_indices = @transform_0, window_bounds = array<i64: 128, 256>}, {pipeline_mode = #tpu.pipeline_mode<synchronous>, transform_indices = @transform_1, window_bounds = array<i64: 256, 256>}, {pipeline_mode = #tpu.pipeline_mode<synchronous>, transform_indices = @transform_2, window_bounds = array<i64: 1, 256>}, {transform_indices = @transform_3, window_bounds = array<i64: 128, 256>}]} {
    %get3A = arith.constant 0 : index
    %get3A_0 = arith.constant 0 : index
    %get3A_1 = vector.load %arg1[%get3A, %get3A_0] : memref<128x256xf32, #tpu.memory_space<vmem>>, vector<128x256xf32>
    %get3A_2 = arith.constant 0 : index
    %get3A_3 = arith.constant 0 : index
    %get3A_4 = vector.load %arg2[%get3A_2, %get3A_3] : memref<256x256xf32, #tpu.memory_space<vmem>>, vector<256x256xf32>
    %dot_general3A = arith.constant dense<0.000000e+00> : vector<128x256xf32>
    %dot_general3A_5 = tpu.matmul %get3A_1, %get3A_4, %dot_general3A {dimension_numbers = #tpu.dot_dimension_numbers<[1], [0], [0], [1], [0, 0, 1, 1], [], []>, transpose_lhs_hint = false} : vector<128x256xf32>, vector<256x256xf32>, vector<128x256xf32> -> vector<128x256xf32>
    %get3A_6 = arith.constant 0 : index
    %get3A_7 = arith.constant 0 : index
    %get3A_8 = vector.load %arg3[%get3A_6, %get3A_7] : memref<1x256xf32, #tpu.memory_space<vmem>>, vector<1x256xf32>
    %add3A = vector.broadcast %get3A_8 : vector<1x256xf32> to vector<128x256xf32>
    %add3A_9 = arith.addf %dot_general3A_5, %add3A : vector<128x256xf32>
    %max3A = arith.constant 0.000000e+00 : f32
    %max3A_10 = vector.broadcast %max3A : f32 to vector<128x256xf32>
    %max3A_11 = arith.maximumf %add3A_9, %max3A_10 : vector<128x256xf32>
    %swap3A = arith.constant 0 : index
    %swap3A_12 = arith.constant 0 : index
    %swap3A_13 = vector.load %arg4[%swap3A, %swap3A_12] : memref<128x256xf32, #tpu.memory_space<vmem>>, vector<128x256xf32>
    tpu.vector_store %arg4[%swap3A, %swap3A_12], %max3A_11 {strides = array<i32>} : memref<128x256xf32, #tpu.memory_space<vmem>>, vector<128x256xf32>,
    return
  }
  func.func @transform_0(%arg0: i32) -> (i32, i32) {
    %c0_i32 = arith.constant 0 : i32
    %c0_i32_0 = arith.constant 0 : i32
    return %arg0, %c0_i32 : i32, i32
  }
  func.func @transform_1(%arg0: i32) -> (i32, i32) {
    %c0_i32 = arith.constant 0 : i32
    %c0_i32_0 = arith.constant 0 : i32
    %c0_i32_1 = arith.constant 0 : i32
    return %c0_i32, %c0_i32_0 : i32, i32
  }
  func.func @transform_2(%arg0: i32) -> (i32, i32) {
    %c0_i32 = arith.constant 0 : i32
    %c0_i32_0 = arith.constant 0 : i32
    %c0_i32_1 = arith.constant 0 : i32
    return %c0_i32, %c0_i32_0 : i32, i32
  }
  func.func @transform_3(%arg0: i32) -> (i32, i32) {
    %c0_i32 = arith.constant 0 : i32
    %c0_i32_0 = arith.constant 0 : i32
    return %arg0, %c0_i32 : i32, i32
  }
}

</mosaic_0001>

<sc_bundles>
// kernel: kernel.6.cloned.1.call-start
scs
__scs_entry_jumppad:
0x0: {  	(pc) =	sbr.rel $0x88, $3  }
0x1: {  	(tag) =	ssettag $0x0;
	lr =	simm.s32 $0x1  }
0x2: {  	[smem:$0x3F8A] =	sst lr;
	_ =	strace $0xD0000000  }
0x3: {  	_ = 	snop  }
0x4: {  	_ = 	snop  }
0x5: {  	_ = 	snop  }
0x6: {  	_ = 	snop  }
0x7: {  	_ = 	snop  }
__scs_overlays_trampoline_lowered:
0x8: {  	[smem:$0x3F99] =	sst s0  }
0x9: {  	[smem:$0x3F9A] =	sst s1  }
0xa: {  	[smem:$0x3F9B] =	sst s2  }
0xb: {  	[smem:$0x3F9C] =	sst s3  }
0xc: {  	[smem:$0x3F9D] =	sst s4  }
0xd: {  	[smem:$0x3F9E] =	sst s5  }
0xe: {  	[smem:$0x3F9F] =	sst s6  }
0xf: {  	[smem:$0x3FA0] =	sst s7  }
0x10: {  	[smem:$0x3FA1] =	sst s8  }
0x11: {  	[smem:$0x3FA2] =	sst s9;
	s0 =	simm.s32 @!p0 $0x0  }
0x12: {  	s1 =	sld [smem:$0x3F88];
	s0 =	simm.s32 @p0 $0x1  }
0x13: {  	[smem:$0x3FA3] =	sst s0;
	s0 =	simm.s32 @!p1 $0x0  }
0x14: {  	s2 =	sld [smem:$0x3F87];
	s0 =	simm.s32 @p1 $0x1  }
0x15: {  	[smem:$0x3FA4] =	sst s0;
	s0 =	simm.s32 @!p2 $0x0  }
0x16: {  	s3 =	sld [smem:$0x3FDB];
	s0 =	simm.s32 @p2 $0x1  }
0x17: {  	s4 =	simm.s32 $0x1BF5;
	[smem:$0x3FA6] =	sst s0  }
0x18: {  	s0 =	sld [smem:$0x3F89];
	_ =	swait.ge [sflag:s4], $0x0  }
0x19: {  	s7 =	sld [smem:$0x3F8A]  }
0x1a: {  	s8 =	sadd.s32 $0xFFFFE003, lr  }
0x1b: {  	s9 =	sadd.s32 $0xFFFFFEF7, lr;
	s5 =	simm.s32 $0xFFFFFFFF;
	p2 =	slt.u32 s8, $0xFFFFF086  }
0x1c: {  	p1 =	slt.u32 s9, $0xF7A;
	s5 =	simm.s32 @!p2 $0x0  }
0x1d: {  	s5 =	simm.s32 @p1 $0x1;
	p0 =	seq.s32 s7, s2  }
0x1e: {  	s7 =	smul.u32 @!p0 $0xF7A, s2;
	p2 =	seq.s32 @!p0 s5, $0x0  }
0x1f: {  	s9 =	smul.u32 $0xF7A, s1;
	s8 =	simm.s32 @!p0 $0x1BF5;
	p2 =	por !p2, p0  }
0x20: {  	[sflag:s8] =	ssyncset.s32 @!p0 $0xFFFFF086;
	s6 =	sadd.s32 @!p0 s3, s7;
	s7 =	simm.s32 @!p0 $0x108  }
0x21: {  	s3 =	sadd.s32 s3, s9;
	s6 =	sadd.s32 @!p0 $0x88, s6;
	s7 =	simm.s32 @p2 $0x1082  }
0x22: {  	[simem:s7], [sflag:s8] =	dma.local @!p0 [hbm:s6], $0xF7A  }
0x23: {  	s9 =	sor.u32 $0xD0000000, s2;
	s6 =	simm.s32 $0x108;
	_ =	swait.ge @!p0 [sflag:s8], $0x0  }
0x24: {  	s3 =	sadd.s32 $0x88, s3;
	s6 =	simm.s32 @!p1 $0x1082;
	[sflag:s4] =	ssyncset.s32 $0xFFFFF086  }
0x25: {  	[simem:s6], [sflag:s4] =	dma.local [hbm:s3], $0xF7A  }
0x26: {  	[smem:$0x3F8A] =	sst s1;
	(tag) =	ssettag s2;
	_ =	strace s9  }
0x27: {  	s1 =	sld [smem:$0x3F9A]  }
0x28: {  	s2 =	sld [smem:$0x3F9B]  }
0x29: {  	s4 =	sld [smem:$0x3F9D]  }
0x2a: {  	p0 =	seq.s32 s5, $0x0;
	s5 =	sld [smem:$0x3F9E]  }
0x2b: {  	s6 =	sld [smem:$0x3F9F]  }
0x2c: {  	s7 =	sld [smem:$0x3FA0]  }
0x2d: {  	s3 =	simm.s32 $0x108;
	s8 =	sld [smem:$0x3FA1]  }
0x2e: {  	s3 =	simm.s32 @!p0 $0x1082;
	s9 =	sld [smem:$0x3FA2]  }
0x2f: {  	lr =	sadd.s32 s0, s3;
	s0 =	sld [smem:$0x3F99]  }
0x30: {  	s3 =	sld [smem:$0x3F9C]  }
0x31: {  	[smem:$0x3FA5] =	sst s10  }
0x32: {  	s10 =	sld [smem:$0x3FA3];
	_ =	sdelay $0x3  }
0x33: {  	p0 =	seq.s32 s10, $0x1;
	s10 =	sld [smem:$0x3FA5];
	_ =	sdelay $0x3  }
0x34: {  	[smem:$0x3FA5] =	sst s10  }
0x35: {  	s10 =	sld [smem:$0x3FA4];
	_ =	sdelay $0x3  }
0x36: {  	p1 =	seq.s32 s10, $0x1;
	s10 =	sld [smem:$0x3FA5];
	_ =	sdelay $0x3  }
0x37: {  	[smem:$0x3FA5] =	sst s10  }
0x38: {  	s10 =	sld [smem:$0x3FA6]  }
0x39: {  	_ = 	snop;
	(pc) =	sbr.ind lr, $3  }
0x3a: {  	_ = 	snop  }
0x3b: {  	_ = 	snop  }
0x3c: {  	p2 =	seq.s32 s10, $0x1;
	s10 =	sld [smem:$0x3FA5]  }
0x3d: {  	_ =	shalt  }
0x3e: {  	_ =	shalt  }
0x3f: {  	_ =	shalt  }
0x40: {  	_ =	shalt  }
0x41: {  	_ =	shalt  }
0x42: {  	_ =	shalt  }
0x43: {  	_ =	shalt  }
0x44: {  	_ =	shalt  }
0x45: {  	_ =	shalt  }
0x46: {  	_ =	shalt  }
0x47: {  	_ =	shalt  }
0x48: {  	_ =	shalt  }
0x49: {  	_ =	shalt  }
0x4a: {  	_ =	shalt  }
0x4b: {  	_ =	shalt  }
0x4c: {  	_ =	shalt  }
0x4d: {  	_ =	shalt  }
0x4e: {  	_ =	shalt  }
0x4f: {  	_ =	shalt  }
0x50: {  	_ =	shalt  }
0x51: {  	_ =	shalt  }
0x52: {  	_ =	shalt  }
0x53: {  	_ =	shalt  }
0x54: {  	_ =	shalt  }
0x55: {  	_ =	shalt  }
0x56: {  	_ =	shalt  }
0x57: {  	_ =	shalt  }
0x58: {  	_ =	shalt  }
0x59: {  	_ =	shalt  }
0x5a: {  	_ =	shalt  }
0x5b: {  	_ =	shalt  }
0x5c: {  	_ =	shalt  }
0x5d: {  	_ =	shalt  }
0x5e: {  	_ =	shalt  }
0x5f: {  	_ =	shalt  }
0x60: {  	_ =	shalt  }
0x61: {  	_ =	shalt  }
0x62: {  	_ =	shalt  }
0x63: {  	_ =	shalt  }
0x64: {  	_ =	shalt  }
0x65: {  	_ =	shalt  }
0x66: {  	_ =	shalt  }
0x67: {  	_ =	shalt  }
0x68: {  	_ =	shalt  }
0x69: {  	_ =	shalt  }
0x6a: {  	_ =	shalt  }
0x6b: {  	_ =	shalt  }
0x6c: {  	_ =	shalt  }
0x6d: {  	_ =	shalt  }
0x6e: {  	_ =	shalt  }
0x6f: {  	_ =	shalt  }
0x70: {  	_ =	shalt  }
0x71: {  	_ =	shalt  }
0x72: {  	_ =	shalt  }
0x73: {  	_ =	shalt  }
0x74: {  	_ =	shalt  }
0x75: {  	_ =	shalt  }
0x76: {  	_ =	shalt  }
0x77: {  	_ =	shalt  }
0x78: {  	_ =	shalt  }
0x79: {  	_ =	shalt  }
0x7a: {  	_ =	shalt  }
0x7b: {  	_ =	shalt  }
0x7c: {  	_ =	shalt  }
0x7d: {  	_ =	shalt  }
0x7e: {  	_ =	shalt  }
0x7f: {  	_ =	shalt  }
0x80: {  	_ =	shalt  }
0x81: {  	_ =	shalt  }
0x82: {  	_ =	shalt  }
0x83: {  	_ =	shalt  }
0x84: {  	_ =	shalt  }
0x85: {  	_ =	shalt  }
0x86: {  	_ =	shalt  }
0x87: {  	_ =	shalt  }
.Lfunc_end0:
.L_simem_size_0:
called_computation_lowered:
.L_overlay_start_0:
0x88: {  	s2 =	sld [smem:$0x3FD9]  }
0x89: {  	s3 =	sld [smem:$0x3FFE];
	_ =	sdelay $0x1  }
0x8a: {  	s1 =	srdreg.scid  }
0x8b: {  	s0 =	sand.u32 $0x1, s1  }
0x8c: {  	s17 =	sshll.u32 s0, $0xA;
	s2 =	sadd.s32 s3, s2  }
0x8d: {  	s2 =	sadd.s32 s2, s17  }
0x8e: {  	[smem:$0x3FB1] =	sst s2  }
0x8f: {  	_ = 	snop  }
0x90: {  	s2 =	sld [smem:$0x3FC9]  }
0x91: {  	s18 =	sld [smem:$0x3FD0];
	(tm) =	ssettm $0x1  }
0x92: {  	s4 =	sld [smem:$0x3FFB];
	_ =	sdelay $0x3  }
0x93: {  	_ =	strace s4  }
0x94: {  	s4 =	sld [smem:$0x3FFC];
	_ =	sdelay $0x3  }
0x95: {  	_ =	strace s4  }
0x96: {  	s4 =	sld [smem:$0x3FFD];
	_ =	sdelay $0x3  }
0x97: {  	_ =	strace s4  }
0x98: {  	_ =	strace $0x8FFFFFFF  }
0x99: {  	s19 =	sld [smem:$0x3FDB];
	_ =	sdelay $0x1  }
0x9a: {  	s5 =	simm.s32 $_scs_section_size  }
0x9b: {  	s6 =	simm.s32 $_size__tile_overlayer_lowered;
	s7 =	simm.s32 $_tile_overlayer_lowered  }
0x9c: {  	s22 =	simm.s32 $0x1BFF;
	s21 =	sshll.u32 s7, $0x1;
	s4 =	sadd.s32 s5, s19  }
0x9d: {  	s8 =	simm.s32 $0x0;
	s20 =	sshll.u32 s6, $0x1;
	s6 =	sadd.s32 s21, s4  }
0x9e: {  	[timem:s8], [sflag:s22] =	dma.local [hbm:s6], s20  }
0x9f: {  	_ =	swait.ge [sflag:s22], s20  }
0xa0: {  	s5 =	ssub.s32 $0x0, s20;
	[sflag:s22] =	ssyncset.done $0x0  }
0xa1: {  	[sflag:s22] =	ssyncadd.s32 s5;
	_ =	sdelay $0x1  }
0xa2: {  	s23 =	simm.s32 $0x1B8B  }
0xa3: {  	_ =	swait.ge [sflag:s23], $0x1  }
0xa4: {  	[sflag:s23] =	ssyncset.done $0x0  }
0xa5: {  	s25 =	simm.s32 $0x1B8E;
	s24 =	sld [smem:$0x3FFE];
	[sflag:s23] =	ssyncadd.s32 $0xFFFFFFFF  }
0xa6: {  	s26 =	simm.s32 $execute0_lowered;
	[smem:$0x3FD2] =	sst s25  }
0xa7: {  	s6 =	sshll.u32 s26, $0x1;
	_ =	strace $0x80000046;
	[dreg:$0x1] =	wrdreg $0xFFFFFFFF  }
0xa8: {  	s28 =	simm.s32 $_size_execute0_lowered;
	s4 =	sadd.s32 s4, s6;
	[dreg:$0x0] =	wrdreg $0x0  }
0xa9: {  	s6 =	sshll.u32 s28, $0x1;
	[dreg:$0x2] =	wrdreg s4  }
0xaa: {  	[dreg:$0x3] =	wrdreg s6  }
0xab: {  	[dreg:$0x4] =	wrdreg $0xC0  }
0xac: {  	_ =	task [dreg:s8], $0x5FFFF  }
0xad: {  	[dreg:$0x1] =	wrdreg $0xFFFFFFFF  }
0xae: {  	[dreg:$0x0] =	wrdreg $0x60  }
0xaf: {  	[dreg:$0x2] =	wrdreg s2  }
0xb0: {  	[dreg:$0x3] =	wrdreg s24  }
0xb1: {  	[dreg:$0x4] =	wrdreg s18  }
0xb2: {  	[dreg:$0x5] =	wrdreg $0x9  }
0xb3: {  	_ =	task.clear_ibuf [dreg:s8], $0x6FFFF;
	_ =	strace $0x90000046  }
0xb4: {  	s29 =	simm.s32 $0x9;
	_ =	strace $0x80000048  }
0xb5: {  	_ =	swait.ge [sflag:s29], $0x1  }
0xb6: {  	[sflag:s29] =	ssyncadd.s32 $0xFFFFFFFF  }
0xb7: {  	_ =	strace $0x90000048  }
0xb8: {  	_ =	sfence  }
0xb9: {  	s30 =	sld [smem:$0x0];
	_ =	sdelay $0x2  }
0xba: {  	s31 =	sshll.u32 s1, $0xD;
	s1 =	sshrl.u32 s1, $0x2  }
0xbb: {  	s3 =	sand.u32 $0x4000, s31;
	s1 =	sadd.s32 s1, s30  }
0xbc: {  	s0 =	sor.u32 s3, s0;
	s1 =	sshll.u32 s1, $0x11  }
0xbd: {  	s0 =	sor.u32 s1, s0  }
0xbe: {  	s0 =	sadd.s32 $0x8F2B, s0  }
0xbf: {  	[sflag:s0] =	ssyncadd.remote.s32 $0x1  }
0xc0: {  	_ =	sfence.sel $0xFFFF  }
0xc1: {  	[dreg:$0x0] =	wrdreg $0xFFFFFFFF;
	(pc) =	sbr.abs _section_cstart, $3  }
0xc2: {  	[dreg:$0x1] =	wrdreg $0xFFFFFFFF  }
0xc3: {  	_ =	task.clear_ibuf [dreg:s8], $0x2FFFF;
	_ =	strace $0x9FFFFFFF  }
0xc4: {  	(tm) =	ssettm $0x7FFFFFFF  }
0xc5: {  	_ =	shalt  }
tec
execute0_lowered:
.L_overlay_start_1:
0x0: {  	(tag) =	ssettag $0x1  }
0x1: {  	s1 =	rddreg [dreg:$0x0]  }
0x2: {  	s0 =	rddreg [dreg:$0x1]  }
0x3: {  	s8 =	rddreg [dreg:$0x2];
	s2 =	simm.s32 $0x0  }
0x4: {  	s5 =	srdreg.scid;
	s3 =	stileid.u32;
	s12 =	simm.s32 $0x1080  }
0x5: {  	s13 =	simm.s32 $0x1880;
	s14 =	simm.s32 $0x2080;
	s15 =	simm.s32 $0x2880  }
0x6: {  	s16 =	simm.s32 $0x3080;
	s17 =	simm.s32 $0x3880;
	s18 =	simm.s32 $0x4080  }
0x7: {  	s19 =	simm.s32 $0x4880;
	s20 =	simm.s32 $0x5080;
	s21 =	simm.s32 $0x5880  }
0x8: {  	s22 =	simm.s32 $0x6080;
	s23 =	simm.s32 $0x6880;
	s28 =	simm.s32 $0x8080  }
0x9: {  	s29 =	simm.s32 $0x0;
	[smem:$0x7FF] =	sst s2;
	s4 =	sadd.s32 $0x3600, s0  }
0xa: {  	s6 =	sand.u32 $0x1, s5;
	s24 =	sshll.u32 s3, $0x12;
	s7 =	sshll.u32 s3, $0x11  }
0xb: {  	s26 =	sshll.u32 s3, $0xD;
	_ =	strace $0x80000047;
	s9 =	ssub.s32 $0x2, s6  }
0xc: {  	s10 =	sadd.s32 s24, s0;
	s0 =	sadd.s32 s7, s0;
	s30 =	sshll.u32 s6, $0xC  }
0xd: {  	s11 =	sshll.u32 s6, $0x10;
	s6 =	sshll.u32 s6, $0x11;
	s24 =	simm.s32 $0x7080  }
0xe: {  	s25 =	sshrl.u32 s9, $0x1;
	s0 =	sadd.s32 s11, s0;
	s10 =	sadd.s32 s6, s10  }
0xf: {  	s11 =	simm.s32 $0x880;
	s5 =	ssub.s32 s9, s25;
	s9 =	sor.u32 s30, s26  }
0x10: {  	v2 =	vlaneseq.u32;
	s6 =	sadd.s32 $0x478A00, s0;
	s7 =	sadd.s32 $0x78A00, s10;
	s10 =	simm.s32 $0x80  }
0x11: {  	vm0 =	vmmov $0xffff;
	v1 =	vshrl.u32 v2, $0x3;
	s25 =	simm.s32 $0x7880;
	s26 =	simm.s32 $0x1;
	s31 =	sshrl.u32 s9, $0x3  }
0x12: {  	v0 =	vand.u32 $0x7, v2;
	v2 =	vor.u32 $0x8, v2;
	v1 =	vmul.u32 $0x8, v1;
	s5 =	smax.u32 s5, $0x1;
	s9 =	simm.s32 $0x2;
	s8 =	sadd.s32 s31, s8  }
.LBB2_1:
0x13: {  	s30 =	smov.u32 s7;
	s31 =	smov.u32 s6;
	s0 =	simm.s32 $0x0  }
.LBB2_2:
0x14: {  	s3 =	sadd.s32 s0, s8  }
0x15: {  	[tilespmem:s2], [sflag:$0x2] =	stream.linear.gather [hbm4b:s3+s2], $0x80, $0x38;
	[tilespmem:$0xC080] =	vst v63  }
0x16: {  	_ =	swait.ge [sflag:s9], $0x80  }
0x17: {  	[sflag:s9] =	ssyncset.done $0x0  }
0x18: {  	[sflag:s9] =	ssyncadd.s32 $0xFFFFFF80  }
0x19: {  	v3 =	vld [tilespmem:$0x0];
	_ =	sdelay $0x4  }
0x1a: {  	v4 =	vshll.u32 v3, $0x1  }
0x1b: {  	v3 =	vand.u32 $0x7, v3;
	v4 =	vand.u32 $0xFFFFFFF0, v4  }
0x1c: {  	v3 =	vor.u32 v3, v4  }
0x1d: {  	v4 =	vperm.xlane v3, v0;
	_ =	sdelay $0x1  }
0x1e: {  	v3 =	vperm.xlane v3, v2;
	v4 =	vadd.s32 v1, v4;
	_ =	sdelay $0x1  }
0x1f: {  	v3 =	vadd.s32 v1, v3;
	_ =	sdelay $0x2  }
0x20: {  	[tilespmem:s10], [sflag:$0x1] =	stream.indirect_vreg.gather [hbm4b:s1+s2], $0x80, v4, vm0, $0xb8;
	[tilespmem:$0xC080] =	vst v63  }
0x21: {  	_ = 	snop  }
0x22: {  	[tilespmem:s11], [sflag:$0x1] =	stream.indirect_vreg.gather [hbm4b:s1+s2], $0x80, v3, vm0, $0xb8;
	[tilespmem:$0xC080] =	vst v63  }
0x23: {  	v3 =	vld [tilespmem:$0x10];
	_ =	sdelay $0x4  }
0x24: {  	v57 =	vshll.u32 v3, $0x1  }
0x25: {  	v3 =	vand.u32 $0x7, v3;
	v4 =	vand.u32 $0xFFFFFFF0, v57  }
0x26: {  	v3 =	vor.u32 v3, v4  }
0x27: {  	v4 =	vperm.xlane v3, v0;
	_ =	sdelay $0x1  }
0x28: {  	v3 =	vperm.xlane v3, v2;
	v4 =	vadd.s32 v1, v4;
	_ =	sdelay $0x1  }
0x29: {  	v3 =	vadd.s32 v1, v3;
	_ =	sdelay $0x2  }
0x2a: {  	[tilespmem:s12], [sflag:$0x1] =	stream.indirect_vreg.gather [hbm4b:s1+s2], $0x80, v4, vm0, $0xb8;
	[tilespmem:$0xC080] =	vst v63  }
0x2b: {  	_ = 	snop  }
0x2c: {  	[tilespmem:s13], [sflag:$0x1] =	stream.indirect_vreg.gather [hbm4b:s1+s2], $0x80, v3, vm0, $0xb8;
	[tilespmem:$0xC080] =	vst v63  }
0x2d: {  	v3 =	vld [tilespmem:$0x20];
	_ =	sdelay $0x4  }
0x2e: {  	v58 =	vshll.u32 v3, $0x1  }
0x2f: {  	v3 =	vand.u32 $0x7, v3;
	v4 =	vand.u32 $0xFFFFFFF0, v58  }
0x30: {  	v3 =	vor.u32 v3, v4  }
0x31: {  	v4 =	vperm.xlane v3, v0;
	_ =	sdelay $0x1  }
0x32: {  	v3 =	vperm.xlane v3, v2;
	v4 =	vadd.s32 v1, v4;
	_ =	sdelay $0x1  }
0x33: {  	v3 =	vadd.s32 v1, v3;
	_ =	sdelay $0x2  }
0x34: {  	[tilespmem:s14], [sflag:$0x1] =	stream.indirect_vreg.gather [hbm4b:s1+s2], $0x80, v4, vm0, $0xb8;
	[tilespmem:$0xC080] =	vst v63  }
0x35: {  	_ = 	snop  }
0x36: {  	[tilespmem:s15], [sflag:$0x1] =	stream.indirect_vreg.gather [hbm4b:s1+s2], $0x80, v3, vm0, $0xb8;
	[tilespmem:$0xC080] =	vst v63  }
0x37: {  	v3 =	vld [tilespmem:$0x30];
	_ =	sdelay $0x4  }
0x38: {  	v59 =	vshll.u32 v3, $0x1  }
0x39: {  	v3 =	vand.u32 $0x7, v3;
	v4 =	vand.u32 $0xFFFFFFF0, v59  }
0x3a: {  	v3 =	vor.u32 v3, v4  }
0x3b: {  	v4 =	vperm.xlane v3, v0;
	_ =	sdelay $0x1  }
0x3c: {  	v3 =	vperm.xlane v3, v2;
	v4 =	vadd.s32 v1, v4;
	_ =	sdelay $0x1  }
0x3d: {  	v3 =	vadd.s32 v1, v3;
	_ =	sdelay $0x2  }
0x3e: {  	[tilespmem:s16], [sflag:$0x1] =	stream.indirect_vreg.gather [hbm4b:s1+s2], $0x80, v4, vm0, $0xb8;
	[tilespmem:$0xC080] =	vst v63  }
0x3f: {  	_ = 	snop  }
0x40: {  	[tilespmem:s17], [sflag:$0x1] =	stream.indirect_vreg.gather [hbm4b:s1+s2], $0x80, v3, vm0, $0xb8;
	[tilespmem:$0xC080] =	vst v63  }
0x41: {  	v3 =	vld [tilespmem:$0x40];
	_ =	sdelay $0x4  }
0x42: {  	v60 =	vshll.u32 v3, $0x1  }
0x43: {  	v3 =	vand.u32 $0x7, v3;
	v4 =	vand.u32 $0xFFFFFFF0, v60  }
0x44: {  	v3 =	vor.u32 v3, v4  }
0x45: {  	v4 =	vperm.xlane v3, v0;
	_ =	sdelay $0x1  }
0x46: {  	v3 =	vperm.xlane v3, v2;
	v4 =	vadd.s32 v1, v4;
	_ =	sdelay $0x1  }
0x47: {  	v3 =	vadd.s32 v1, v3;
	_ =	sdelay $0x2  }
0x48: {  	[tilespmem:s18], [sflag:$0x1] =	stream.indirect_vreg.gather [hbm4b:s1+s2], $0x80, v4, vm0, $0xb8;
	[tilespmem:$0xC080] =	vst v63  }
0x49: {  	_ = 	snop  }
0x4a: {  	[tilespmem:s19], [sflag:$0x1] =	stream.indirect_vreg.gather [hbm4b:s1+s2], $0x80, v3, vm0, $0xb8;
	[tilespmem:$0xC080] =	vst v63  }
0x4b: {  	v3 =	vld [tilespmem:$0x50];
	_ =	sdelay $0x4  }
0x4c: {  	v61 =	vshll.u32 v3, $0x1  }
0x4d: {  	v3 =	vand.u32 $0x7, v3;
	v4 =	vand.u32 $0xFFFFFFF0, v61  }
0x4e: {  	v3 =	vor.u32 v3, v4  }
0x4f: {  	v4 =	vperm.xlane v3, v0;
	_ =	sdelay $0x1  }
0x50: {  	v3 =	vperm.xlane v3, v2;
	v4 =	vadd.s32 v1, v4;
	_ =	sdelay $0x1  }
0x51: {  	v3 =	vadd.s32 v1, v3;
	_ =	sdelay $0x2  }
0x52: {  	[tilespmem:s20], [sflag:$0x1] =	stream.indirect_vreg.gather [hbm4b:s1+s2], $0x80, v4, vm0, $0xb8;
	[tilespmem:$0xC080] =	vst v63  }
0x53: {  	_ = 	snop  }
0x54: {  	[tilespmem:s21], [sflag:$0x1] =	stream.indirect_vreg.gather [hbm4b:s1+s2], $0x80, v3, vm0, $0xb8;
	[tilespmem:$0xC080] =	vst v63  }
0x55: {  	v3 =	vld [tilespmem:$0x60];
	_ =	sdelay $0x4  }
0x56: {  	v62 =	vshll.u32 v3, $0x1  }
0x57: {  	v3 =	vand.u32 $0x7, v3;
	v4 =	vand.u32 $0xFFFFFFF0, v62  }
0x58: {  	v3 =	vor.u32 v3, v4  }
0x59: {  	v4 =	vperm.xlane v3, v0;
	_ =	sdelay $0x1  }
0x5a: {  	v3 =	vperm.xlane v3, v2;
	v4 =	vadd.s32 v1, v4;
	_ =	sdelay $0x1  }
0x5b: {  	v3 =	vadd.s32 v1, v3;
	_ =	sdelay $0x2  }
0x5c: {  	[tilespmem:s22], [sflag:$0x1] =	stream.indirect_vreg.gather [hbm4b:s1+s2], $0x80, v4, vm0, $0xb8;
	[tilespmem:$0xC080] =	vst v63  }
0x5d: {  	_ = 	snop  }
0x5e: {  	[tilespmem:s23], [sflag:$0x1] =	stream.indirect_vreg.gather [hbm4b:s1+s2], $0x80, v3, vm0, $0xb8;
	[tilespmem:$0xC080] =	vst v63  }
0x5f: {  	v3 =	vld [tilespmem:$0x70];
	_ =	sdelay $0x4  }
0x60: {  	v63 =	vshll.u32 v3, $0x1  }
0x61: {  	v3 =	vand.u32 $0x7, v3;
	v4 =	vand.u32 $0xFFFFFFF0, v63  }
0x62: {  	v3 =	vor.u32 v3, v4  }
0x63: {  	v4 =	vperm.xlane v3, v0;
	_ =	sdelay $0x1  }
0x64: {  	v3 =	vperm.xlane v3, v2;
	v4 =	vadd.s32 v1, v4;
	_ =	sdelay $0x1  }
0x65: {  	v3 =	vadd.s32 v1, v3;
	_ =	sdelay $0x2  }
0x66: {  	[tilespmem:s24], [sflag:$0x1] =	stream.indirect_vreg.gather [hbm4b:s1+s2], $0x80, v4, vm0, $0xb8;
	[tilespmem:$0xC080] =	vst v63  }
0x67: {  	_ = 	snop  }
0x68: {  	[tilespmem:s25], [sflag:$0x1] =	stream.indirect_vreg.gather [hbm4b:s1+s2], $0x80, v3, vm0, $0xb8;
	[tilespmem:$0xC080] =	vst v63  }
0x69: {  	_ =	swait.ge [sflag:s26], $0x8000  }
0x6a: {  	[sflag:s26] =	ssyncset.done $0x0  }
0x6b: {  	[sflag:s26] =	ssyncadd.s32 $0xFFFF8000  }
0x6c: {  	[tilespmem:s28], [sflag:$0x1] =	stream.indirect.gather [hbm4b:s4+s10], $0x80, s2, s10, $0xb8;
	[tilespmem:$0xC080] =	vst v63  }
0x6d: {  	_ =	swait.ge [sflag:s26], $0x4000  }
0x6e: {  	[sflag:s26] =	ssyncset.done $0x0  }
0x6f: {  	[sflag:s26] =	ssyncadd.s32 $0xFFFFC000  }
0x70: {  	[hbm4b:s30+s2] =	stream.linear.scatter [tilespmem:s10], [sflag:$0x2], $0x8000, $0x38;
	[tilespmem:$0xC080] =	vst v63  }
0x71: {  	_ =	swait.ge [sflag:s9], $0x8000  }
0x72: {  	p0 =	sne.s32 s0, $0x1F0;
	[sflag:s9] =	ssyncset.done $0x0  }
.Ltmp0:
0x73: {  	[sflag:s9] =	ssyncadd.s32 $0xFFFF8000;
	(pc) =	sbr.rel @p0 .LBB2_2-.Ltmp0, $4  }
0x74: {  	[hbm4b:s31+s2] =	stream.linear.scatter [tilespmem:s28], [sflag:$0x2], $0x4000, $0x38;
	[tilespmem:$0xC080] =	vst v63  }
0x75: {  	_ =	swait.ge [sflag:s9], $0x4000  }
0x76: {  	s0 =	sadd.s32 $0x10, s0;
	[sflag:s9] =	ssyncset.done $0x0  }
0x77: {  	s30 =	sadd.s32 $0x1000, s30;
	s31 =	sadd.s32 $0x800, s31;
	[sflag:s9] =	ssyncadd.s32 $0xFFFFC000  }
0x78: {  	s29 =	sadd.s32 $0x1, s29  }
0x79: {  	p0 =	sne.s32 s29, s5  }
.Ltmp1:
0x7a: {  	_ = 	snop;
	(pc) =	sbr.rel @p0 .LBB2_1-.Ltmp1, $1  }
0x7b: {  	_ =	sdelay $0x3  }
0x7c: {  	_ =	sfence.sel $0x180000  }
0x7d: {  	[bflag:$0x0] =	sbarrier.arrive $0xFFFF  }
0x7e: {  	_ =	strace $0x90000047  }
0x7f: {  	s0 =	stileid.u32;
	[bflag:$0x2] =	sbarrier.arrive $0xFFFF  }
0x80: {  	p0 =	sne.s32 s0, $0x0;
	s0 =	rddreg [dreg:$0x3]  }
0x81: {  	s0 =	sadd.s32 @!p0 $0x100000, s0  }
0x82: {  	[sflag:s0] =	ssyncadd.tile.s32 @!p0 $0x1;
	_ =	shalt  }
.Lfunc_end2:
_tile_overlayer_lowered:
.L_overlay_start_2:
0x83: {  	(tag) =	ssettag $0x2  }
0x84: {  	s0 =	rddreg [dreg:$0x0];
	s2 =	stileid.u32  }
0x85: {  	s1 =	rddreg [dreg:$0x1];
	p0 =	sne.s32 s2, $0x0  }
0x86: {  	s3 =	rddreg [dreg:$0x2];
	[bflag:$0x3] =	sbarrier.arrive $0xFFFF;
	s2 =	simm.s32 @!p0 $0x1C02  }
0x87: {  	[timem:s3], [sflag:s2] =	dma.local @!p0 [hbm:s0], s1  }
0x88: {  	s0 =	simm.s32 @!p0 $0x2  }
0x89: {  	_ =	swait.ge @!p0 [sflag:s0], s1  }
0x8a: {  	s1 =	ssub.s32 @!p0 $0x0, s1;
	[sflag:s0] =	ssyncset.done @!p0 $0x0  }
0x8b: {  	[sflag:s0] =	ssyncadd.s32 @!p0 s1  }
0x8c: {  	[bflag:$0x3] =	sbarrier.arrive $0xFFFF  }
0x8d: {  	_ =	shalt  }

</sc_bundles>
